<compile_context>
chip_gen: v7x
topology: tpu7x:2x2x1
jax: 0.10.2.dev20260603
libtpu: 0.0.44.dev20260713+nightly
codegen_flags: <defaults>
</compile_context>

<pallas_src>
import functools

import jax
import jax.numpy as jnp
from jax import lax
from jax.experimental import pallas as pl
from jax.experimental.pallas import tpu as pltpu
from jax.experimental.pallas import tpu_sc as plsc

N_ENT = 10000
N_ATT = 160000
TEXT_DIM = 256
IMG_DIM = 256
HID = 256
MLP_HID = 512

ROWS_BLK = 640
CHUNK = 128
N_CHUNKS = N_ATT // CHUNK
N_TILES = 16
ACC_ROWS = 10240
TILE_ROWS = 640
ENT_BLK = 400


def _scale_body(att_rel_ref, att_ref, u_w_ref, scaled_ref, ed_ref):
    x = att_rel_ref[...]
    u = u_w_ref[...]
    o = lax.dot_general(x, u, (((1,), (1,)), ((), ())),
                        preferred_element_type=jnp.float32)
    e = jnp.exp(o)
    scaled_ref[...] = att_ref[...] * e
    col = lax.broadcasted_iota(jnp.int32, (ROWS_BLK, 128), 1)
    eb = jnp.broadcast_to(e, (ROWS_BLK, 128))
    ed_ref[...] = jnp.where(col == 0, eb,
                            jnp.where(col == 1, 1.0, 0.0))


def _scale_call(att_rel, att, u_w):
    grid = (N_ATT // ROWS_BLK,)
    return pl.pallas_call(
        _scale_body,
        grid=grid,
        in_specs=[
            pl.BlockSpec((ROWS_BLK, TEXT_DIM), lambda i: (i, 0)),
            pl.BlockSpec((ROWS_BLK, TEXT_DIM), lambda i: (i, 0)),
            pl.BlockSpec((1, TEXT_DIM), lambda i: (0, 0)),
        ],
        out_specs=[
            pl.BlockSpec((ROWS_BLK, TEXT_DIM), lambda i: (i, 0)),
            pl.BlockSpec((ROWS_BLK, 128), lambda i: (i, 0)),
        ],
        out_shape=[
            jax.ShapeDtypeStruct((N_ATT, TEXT_DIM), jnp.float32),
            jax.ShapeDtypeStruct((N_ATT, 128), jnp.float32),
        ],
    )(att_rel, att, u_w)


STEPS_A = 80
STEPS_B = 40


def _seg_body(scaled_hbm, ed_hbm, ids_hbm, zr_hbm,
              t_hbm, dc_hbm,
              ab0, ab1, idb0, idb1, sem0, sem1, acc):
    c = lax.axis_index("c")
    s = lax.axis_index("s")

    def zero_acc(i, carry):
        pltpu.sync_copy(ab0, acc.at[pl.ds(s * TILE_ROWS + i * CHUNK, CHUNK), :])
        return carry

    def scatter_pass(src_hbm, ch_of, valid, steps):
        def issue(g, ab, idb, sem):
            ch = ch_of(g)
            @pl.when(valid(g))
            def _():
                pltpu.async_copy(
                    src_hbm.at[pl.ds(ch * CHUNK, CHUNK), :], ab, sem)
                pltpu.async_copy(ids_hbm.at[ch], idb.at[0], sem)

        def wait_and_scatter(g, ab, idb, sem):
            @pl.when(valid(g))
            def _():
                pltpu.make_async_copy(
                    src_hbm.at[pl.ds(0, CHUNK), :], ab, sem).wait()
                pltpu.make_async_copy(ids_hbm.at[0], idb.at[0], sem).wait()
                pltpu.sync_copy(ab, acc.at[idb.at[0]], add=True)

        issue(0, ab0, idb0, sem0)
        issue(1, ab1, idb1, sem1)

        def step_pair(g2, carry):
            g = 2 * g2
            wait_and_scatter(g, ab0, idb0, sem0)
            issue(g + 2, ab0, idb0, sem0)
            wait_and_scatter(g + 1, ab1, idb1, sem1)
            issue(g + 3, ab1, idb1, sem1)
            return carry

        lax.fori_loop(0, steps // 2, step_pair, 0)

    pltpu.sync_copy(zr_hbm, ab0)
    lax.fori_loop(0, TILE_ROWS // CHUNK, zero_acc, 0)
    plsc.subcore_barrier()

    scatter_pass(
        scaled_hbm.at[:, pl.ds(c * 128, 128)],
        lambda g: s + N_TILES * g,
        lambda g: s + N_TILES * g < N_CHUNKS,
        STEPS_A)
    plsc.subcore_barrier()

    def out_t(i, carry):
        r0 = s * TILE_ROWS + i * CHUNK
        pltpu.sync_copy(acc.at[pl.ds(r0, CHUNK), :], ab1)
        pltpu.sync_copy(ab1, t_hbm.at[pl.ds(r0, CHUNK), pl.ds(c * 128, 128)])
        return carry

    lax.fori_loop(0, TILE_ROWS // CHUNK, out_t, 0)
    plsc.subcore_barrier()

    pltpu.sync_copy(zr_hbm, ab0)
    lax.fori_loop(0, TILE_ROWS // CHUNK, zero_acc, 0)
    plsc.subcore_barrier()

    scatter_pass(
        ed_hbm,
        lambda g: 2 * (s + N_TILES * g) + c,
        lambda g: 2 * (s + N_TILES * g) + c < N_CHUNKS,
        STEPS_B)
    plsc.subcore_barrier()

    def out_dc(i, carry):
        r0 = s * TILE_ROWS + i * CHUNK
        pltpu.sync_copy(acc.at[pl.ds(r0, CHUNK), :], ab1)
        pltpu.sync_copy(ab1, dc_hbm.at[c, pl.ds(r0, CHUNK), :])
        return carry

    lax.fori_loop(0, TILE_ROWS // CHUNK, out_dc, 0)


@functools.cache
def _build_seg_call():
    return pl.kernel(
        _seg_body,
        out_type=(
            jax.ShapeDtypeStruct((ACC_ROWS, TEXT_DIM), jnp.float32),
            jax.ShapeDtypeStruct((2, ACC_ROWS, 128), jnp.float32),
        ),
        mesh=plsc.VectorSubcoreMesh(core_axis_name="c", subcore_axis_name="s"),
        scratch_types=[
            pltpu.VMEM((CHUNK, 128), jnp.float32),
            pltpu.VMEM((CHUNK, 128), jnp.float32),
            pltpu.VMEM((2, CHUNK), jnp.int32),
            pltpu.VMEM((2, CHUNK), jnp.int32),
            pltpu.SemaphoreType.DMA,
            pltpu.SemaphoreType.DMA,
            pltpu.VMEM_SHARED((ACC_ROWS, 128), jnp.float32),
        ],
    )


def _seg_call(scaled, ed128, ids2d, zrows):
    return _build_seg_call()(scaled, ed128, ids2d, zrows)


def _head_body(t_ref, dc0_ref, dc1_ref, img_ref,
               w_w_ref, w_b_ref, tw1_ref, tb1_ref, tw2_ref, tb2_ref,
               iw1_ref, ib1_ref, iw2_ref, ib2_ref,
               img_out, text_out, mean_out):
    def matmul_t(x, w_ref):
        return lax.dot_general(x, w_ref[...], (((1,), (1,)), ((), ())),
                               preferred_element_type=jnp.float32)

    dc = dc0_ref[...] + dc1_ref[...]
    d_raw = dc[:, 0:1]
    cnt = dc[:, 1:2]
    d = d_raw + 1e-16
    t = t_ref[...] / d
    s_pre = matmul_t(t, w_w_ref) + (d_raw / d) * w_b_ref[...]
    text = s_pre / jnp.maximum(cnt, 1.0)

    h_t = jnp.maximum(matmul_t(text, tw1_ref) + tb1_ref[...], 0.0)
    text_feat = matmul_t(h_t, tw2_ref) + tb2_ref[...]

    h_i = jnp.maximum(matmul_t(img_ref[...], iw1_ref) + ib1_ref[...], 0.0)
    img_feat = matmul_t(h_i, iw2_ref) + ib2_ref[...]

    img_out[...] = img_feat
    text_out[...] = text_feat
    mean_out[...] = (img_feat + text_feat) * 0.5


def _head_call(t, dc0, dc1, img,
               w_w, w_b, tw1, tb1, tw2, tb2, iw1, ib1, iw2, ib2):
    grid = (N_ENT // ENT_BLK,)
    row_blk = lambda cols: pl.BlockSpec((ENT_BLK, cols), lambda i: (i, 0))
    full = lambda r, cols: pl.BlockSpec((r, cols), lambda i: (0, 0))
    return pl.pallas_call(
        _head_body,
        grid=grid,
        in_specs=[
            row_blk(TEXT_DIM),
            row_blk(2),
            row_blk(2),
            row_blk(IMG_DIM),
            full(TEXT_DIM, TEXT_DIM),
            full(1, TEXT_DIM),
            full(MLP_HID, TEXT_DIM),
            full(1, MLP_HID),
            full(HID, MLP_HID),
            full(1, HID),
            full(MLP_HID, IMG_DIM),
            full(1, MLP_HID),
            full(HID, MLP_HID),
            full(1, HID),
        ],
        out_specs=[row_blk(HID), row_blk(HID), row_blk(HID)],
        out_shape=[
            jax.ShapeDtypeStruct((N_ENT, HID), jnp.float32),
            jax.ShapeDtypeStruct((N_ENT, HID), jnp.float32),
            jax.ShapeDtypeStruct((N_ENT, HID), jnp.float32),
        ],
    )(t, dc0, dc1, img, w_w, w_b, tw1, tb1, tw2, tb2, iw1, ib1, iw2, ib2)


@jax.jit
def kernel(img_features, att_features, att_rel_features, att_ids,
           u_w, u_b, W_w, W_b,
           text_w1, text_b1, text_w2, text_b2,
           img_w1, img_b1, img_w2, img_b2):
    del u_b
    scaled, ed128 = _scale_call(att_rel_features, att_features,
                                u_w.reshape(1, TEXT_DIM))
    ids2d = att_ids.astype(jnp.int32).reshape(N_CHUNKS, CHUNK)
    zrows = jnp.zeros((CHUNK, 128), jnp.float32)
    t_pad, dc_parts = _seg_call(scaled, ed128, ids2d, zrows)
    t_acc = t_pad[:N_ENT]
    dc0 = dc_parts[0, :N_ENT, :2]
    dc1 = dc_parts[1, :N_ENT, :2]
    img_feat, text_feat, mean_feature = _head_call(
        t_acc, dc0, dc1, img_features,
        W_w, W_b.reshape(1, TEXT_DIM),
        text_w1, text_b1.reshape(1, MLP_HID),
        text_w2, text_b2.reshape(1, HID),
        img_w1, img_b1.reshape(1, MLP_HID),
        img_w2, img_b2.reshape(1, HID))
    return (img_feat, text_feat, mean_feature)

# --- scband reference (transcript-rebuilt; emitter-appended) ---
"""Pipeline reference for scband-mmfeature-57810259804275 (READ-ONLY COPY).

The authoritative reference and input builder live on the scoring server;
editing this copy changes nothing except your own understanding.
"""

import jax, jax.numpy as jnp
import numpy as np

N_ENT = 10000
N_ATT = 160000
TEXT_DIM = 256
IMG_DIM = 256
HID = 256
MLP_HID = 512


def _init_linear(key, din, dout):
    k1, k2 = jax.random.split(key)
    bound = 1.0 / np.sqrt(din)
    w = jax.random.uniform(k1, (dout, din), minval=-bound, maxval=bound, dtype=jnp.float32)
    b = jax.random.uniform(k2, (dout,), minval=-bound, maxval=bound, dtype=jnp.float32)
    return w, b


def setup_inputs(seed: int = 0) -> dict:
    key = jax.random.key(seed)
    ks = jax.random.split(key, 12)
    img_features = jax.random.normal(ks[0], (N_ENT, IMG_DIM), dtype=jnp.float32)
    att_features = jax.random.normal(ks[1], (N_ATT, TEXT_DIM), dtype=jnp.float32)
    att_rel_features = jax.random.normal(ks[2], (N_ATT, TEXT_DIM), dtype=jnp.float32)
    att_ids = jnp.sort(jax.random.randint(ks[3], (N_ATT,), 0, N_ENT, dtype=jnp.int64 if jax.config.jax_enable_x64 else jnp.int32))
    # Text_enc params
    u_w, u_b = _init_linear(ks[4], TEXT_DIM, 1)
    W_w, W_b = _init_linear(ks[5], TEXT_DIM, TEXT_DIM)
    # Text MLP (text_dim -> MLP_HID -> HID)
    text_w1, text_b1 = _init_linear(ks[6], TEXT_DIM, MLP_HID)
    text_w2, text_b2 = _init_linear(ks[7], MLP_HID, HID)
    # IMG MLP (img_dim -> MLP_HID -> HID)
    img_w1, img_b1 = _init_linear(ks[8], IMG_DIM, MLP_HID)
    img_w2, img_b2 = _init_linear(ks[9], MLP_HID, HID)
    return {
        'img_features': img_features,
        'att_features': att_features,
        'att_rel_features': att_rel_features,
        'att_ids': att_ids,
        'u_w': u_w, 'u_b': u_b, 'W_w': W_w, 'W_b': W_b,
        'text_w1': text_w1, 'text_b1': text_b1, 'text_w2': text_w2, 'text_b2': text_b2,
        'img_w1': img_w1, 'img_b1': img_b1, 'img_w2': img_w2, 'img_b2': img_b2,
    }


def _mlp(x, w1, b1, w2, b2):
    h = jax.nn.relu(x @ w1.T + b1)
    return h @ w2.T + b2


def reference(img_features, att_features, att_rel_features, att_ids,
              u_w, u_b, W_w, W_b,
              text_w1, text_b1, text_w2, text_b2,
              img_w1, img_b1, img_w2, img_b2):
    # --- Text_enc: segment softmax attention + segment-mean scatter ---
    a_v = att_features @ W_w.T + W_b              # [N_ATT, TEXT_DIM]
    o = att_rel_features @ u_w.T + u_b            # [N_ATT, 1]
    seg_max = jax.ops.segment_max(o, att_ids, num_segments=N_ENT)
    seg_max = jnp.where(jnp.isfinite(seg_max), seg_max, 0.0)
    e = jnp.exp(o - seg_max[att_ids])
    denom = jax.ops.segment_sum(e, att_ids, num_segments=N_ENT)
    alpha = e / (denom[att_ids] + 1e-16)
    vals = alpha * a_v
    s = jax.ops.segment_sum(vals, att_ids, num_segments=N_ENT)
    cnt = jax.ops.segment_sum(jnp.ones((N_ATT, 1), dtype=jnp.float32), att_ids, num_segments=N_ENT)
    text = s / jnp.maximum(cnt, 1.0)              # scatter-mean -> [N_ENT, TEXT_DIM]
    # --- per-modal MLP projections ---
    img_feat = _mlp(img_features, img_w1, img_b1, img_w2, img_b2)
    text_feat = _mlp(text, text_w1, text_b1, text_w2, text_b2)
    mean_feature = (img_feat + text_feat) / 2.0
    return (img_feat, text_feat, mean_feature)

if __name__ == "__main__":
    import jax
    _d = setup_inputs()
    print(jax.jit(kernel)(*tuple(_d.values())))

</pallas_src>

<mosaic_0001>
#map = affine_map<(d0, d1) -> (0, 0)>
#map1 = affine_map<(d0, d1) -> (0, 0, 0)>
module attributes {stable_mosaic.version = 14 : i64} {
  func.func @_seg_body(%arg0: i32, %arg1: i32, %arg2: memref<160000x256xf32, #tpu.memory_space<hbm>>, %arg3: memref<160000x128xf32, #tpu.memory_space<hbm>>, %arg4: memref<1250x128xi32, #tpu.memory_space<hbm>>, %arg5: memref<128x128xf32, #tpu.memory_space<hbm>>, %arg6: memref<10240x256xf32, #tpu.memory_space<hbm>>, %arg7: memref<2x10240x128xf32, #tpu.memory_space<hbm>>, %arg8: memref<128x128xf32, #tpu.memory_space<vmem>>, %arg9: memref<128x128xf32, #tpu.memory_space<vmem>>, %arg10: memref<2x128xi32, #tpu.memory_space<vmem>>, %arg11: memref<2x128xi32, #tpu.memory_space<vmem>>, %arg12: memref<!tpu.dma_semaphore, #tpu.memory_space<semaphore_mem>>, %arg13: memref<!tpu.dma_semaphore, #tpu.memory_space<semaphore_mem>>, %arg14: memref<10240x128xf32, #tpu.memory_space<vmem_shared>>) attributes {dimension_semantics = [#tpu.dimension_semantics<core_parallel>, #tpu.dimension_semantics<subcore_parallel>], iteration_bounds = array<i64: 2, 16>, scalar_prefetch = 0 : i64, scratch_operands = 7 : i64, tpu.core_type = #tpu.core_type<sc_vector_subcore>, window_params = [{transform_indices = #map}, {transform_indices = #map}, {transform_indices = #map}, {transform_indices = #map}, {transform_indices = #map}, {transform_indices = #map1}]} {
    "tpu.region"() ({
      %run_scoped3A = tpu.sem_alloc : memref<!tpu.dma_semaphore, #tpu.memory_space<semaphore_mem>>
      tpu.enqueue_dma source(%arg5 : memref<128x128xf32, #tpu.memory_space<hbm>>) target(%arg8 : memref<128x128xf32, #tpu.memory_space<vmem>>) target_semaphore(%run_scoped3A : memref<!tpu.dma_semaphore, #tpu.memory_space<semaphore_mem>>)
      tpu.wait_dma2 semaphore(%run_scoped3A : memref<!tpu.dma_semaphore, #tpu.memory_space<semaphore_mem>>) src(%arg5 : memref<128x128xf32, #tpu.memory_space<hbm>>) dst(%arg8 : memref<128x128xf32, #tpu.memory_space<vmem>>)
      tpu.yield
    }) : () -> ()
    %scan3A = arith.constant 0 : i32
    %scan3A_0 = arith.constant 0 : i32
    %scan3A_1 = arith.constant 5 : i32
    %scan3A_2 = arith.addi %scan3A_0, %scan3A_1 : i32
    %scan3A_3 = arith.constant 1 : i32
    scf.for %scan3A_84 = %scan3A_0 to %scan3A_2 step %scan3A_3  : i32 {
      %mul3A_85 = arith.constant 640 : i32
      %mul3A_86 = arith.muli %arg1, %mul3A_85 : i32
      %mul3A_87 = arith.constant 128 : i32
      %mul3A_88 = arith.muli %scan3A_84, %mul3A_87 : i32
      %add3A_89 = arith.addi %mul3A_86, %mul3A_88 : i32
      "tpu.region"() ({
        %run_scoped3A = tpu.sem_alloc : memref<!tpu.dma_semaphore, #tpu.memory_space<semaphore_mem>>
        %dma_start3A = arith.constant 0 : i32
        %dma_start3A_90 = tpu.memref_slice %arg14[%add3A_89, %dma_start3A] : memref<10240x128xf32, #tpu.memory_space<vmem_shared>> -> memref<128x128xf32, #tpu.memory_space<vmem_shared>>
        %dma_start3A_91 = arith.constant 0 : i32
        %dma_start3A_92 = tpu.memref_slice %arg14[%add3A_89, %dma_start3A_91] : memref<10240x128xf32, #tpu.memory_space<vmem_shared>> -> memref<128x128xf32, #tpu.memory_space<vmem_shared>>
        tpu.enqueue_dma source(%arg8 : memref<128x128xf32, #tpu.memory_space<vmem>>) target(%dma_start3A_92 : memref<128x128xf32, #tpu.memory_space<vmem_shared>>) target_semaphore(%run_scoped3A : memref<!tpu.dma_semaphore, #tpu.memory_space<semaphore_mem>>)
        %dma_wait3A = arith.constant 0 : i32
        %dma_wait3A_93 = tpu.memref_slice %arg14[%add3A_89, %dma_wait3A] : memref<10240x128xf32, #tpu.memory_space<vmem_shared>> -> memref<128x128xf32, #tpu.memory_space<vmem_shared>>
        %dma_wait3A_94 = arith.constant 0 : i32
        %dma_wait3A_95 = tpu.memref_slice %arg14[%add3A_89, %dma_wait3A_94] : memref<10240x128xf32, #tpu.memory_space<vmem_shared>> -> memref<128x128xf32, #tpu.memory_space<vmem_shared>>
        tpu.wait_dma2 semaphore(%run_scoped3A : memref<!tpu.dma_semaphore, #tpu.memory_space<semaphore_mem>>) src(%arg8 : memref<128x128xf32, #tpu.memory_space<vmem>>) dst(%dma_wait3A_95 : memref<128x128xf32, #tpu.memory_space<vmem_shared>>)
        tpu.yield
      }) : () -> ()
    }
    %scan3A_4 = arith.constant 5 : i32
    %barrier3A = arith.constant 0 : index
    tpu.barrier barrier_id(%barrier3A)
    %mul3A = arith.constant 128 : i32
    %mul3A_5 = arith.muli %arg0, %mul3A : i32
    %add3A = arith.constant 0 : i32
    %add3A_6 = arith.addi %arg1, %add3A : i32
    %add3A_7 = arith.constant 0 : i32
    %add3A_8 = arith.addi %arg1, %add3A_7 : i32
    %lt3A = arith.constant 1250 : i32
    %lt3A_9 = arith.cmpi slt, %add3A_8, %lt3A : i32
    %convert_element_type3A = arith.extui %lt3A_9 : i1 to i32
    %cond3A = arith.constant 0 : i32
    %cond3A_10 = arith.cmpi ne, %convert_element_type3A, %cond3A : i32
    scf.if %cond3A_10 {
      %mul3A_84 = arith.constant 128 : i32
      %mul3A_85 = arith.muli %add3A_6, %mul3A_84 : i32
      %dma_start3A = arith.constant 0 : i32
      %dma_start3A_86 = tpu.memref_slice %arg2[%dma_start3A, %mul3A_5] : memref<160000x256xf32, #tpu.memory_space<hbm>> -> memref<160000x128xf32, #tpu.memory_space<hbm>>
      %dma_start3A_87 = arith.constant 0 : i32
      %dma_start3A_88 = tpu.memref_slice %dma_start3A_86[%mul3A_85, %dma_start3A_87] : memref<160000x128xf32, #tpu.memory_space<hbm>> -> memref<128x128xf32, #tpu.memory_space<hbm>>
      %dma_start3A_89 = arith.constant 0 : i32
      %dma_start3A_90 = tpu.memref_slice %arg2[%dma_start3A_89, %mul3A_5] : memref<160000x256xf32, #tpu.memory_space<hbm>> -> memref<160000x128xf32, #tpu.memory_space<hbm>>
      %dma_start3A_91 = arith.constant 0 : i32
      %dma_start3A_92 = tpu.memref_slice %dma_start3A_90[%mul3A_85, %dma_start3A_91] : memref<160000x128xf32, #tpu.memory_space<hbm>> -> memref<128x128xf32, #tpu.memory_space<hbm>>
      tpu.enqueue_dma source(%dma_start3A_92 : memref<128x128xf32, #tpu.memory_space<hbm>>) target(%arg8 : memref<128x128xf32, #tpu.memory_space<vmem>>) target_semaphore(%arg12 : memref<!tpu.dma_semaphore, #tpu.memory_space<semaphore_mem>>)
      %dma_start3A_93 = arith.constant 0 : i32
      %dma_start3A_94 = arith.constant 0 : i32
      %dma_start3A_95 = tpu.memref_slice %arg10[%dma_start3A_93, %dma_start3A_94] : memref<2x128xi32, #tpu.memory_space<vmem>> -> memref<1x128xi32, #tpu.memory_space<vmem>>
      %dma_start3A_96 = tpu.memref_squeeze %dma_start3A_95 : memref<1x128xi32, #tpu.memory_space<vmem>> -> memref<128xi32, #tpu.memory_space<vmem>>
      %dma_start3A_97 = arith.constant 0 : i32
      %dma_start3A_98 = tpu.memref_slice %arg4[%add3A_6, %dma_start3A_97] : memref<1250x128xi32, #tpu.memory_space<hbm>> -> memref<1x128xi32, #tpu.memory_space<hbm>>
      %dma_start3A_99 = tpu.memref_squeeze %dma_start3A_98 : memref<1x128xi32, #tpu.memory_space<hbm>> -> memref<128xi32, #tpu.memory_space<hbm>>
      %dma_start3A_100 = arith.constant 0 : i32
      %dma_start3A_101 = tpu.memref_slice %arg10[%dma_start3A_93, %dma_start3A_100] : memref<2x128xi32, #tpu.memory_space<vmem>> -> memref<1x128xi32, #tpu.memory_space<vmem>>
      %dma_start3A_102 = tpu.memref_squeeze %dma_start3A_101 : memref<1x128xi32, #tpu.memory_space<vmem>> -> memref<128xi32, #tpu.memory_space<vmem>>
      %dma_start3A_103 = arith.constant 0 : i32
      %dma_start3A_104 = tpu.memref_slice %arg4[%add3A_6, %dma_start3A_103] : memref<1250x128xi32, #tpu.memory_space<hbm>> -> memref<1x128xi32, #tpu.memory_space<hbm>>
      %dma_start3A_105 = tpu.memref_squeeze %dma_start3A_104 : memref<1x128xi32, #tpu.memory_space<hbm>> -> memref<128xi32, #tpu.memory_space<hbm>>
      tpu.enqueue_dma source(%dma_start3A_105 : memref<128xi32, #tpu.memory_space<hbm>>) target(%dma_start3A_102 : memref<128xi32, #tpu.memory_space<vmem>>) target_semaphore(%arg12 : memref<!tpu.dma_semaphore, #tpu.memory_space<semaphore_mem>>)
    } else {
    }
    %add3A_11 = arith.constant 16 : i32
    %add3A_12 = arith.addi %arg1, %add3A_11 : i32
    %add3A_13 = arith.constant 16 : i32
    %add3A_14 = arith.addi %arg1, %add3A_13 : i32
    %lt3A_15 = arith.constant 1250 : i32
    %lt3A_16 = arith.cmpi slt, %add3A_14, %lt3A_15 : i32
    %convert_element_type3A_17 = arith.extui %lt3A_16 : i1 to i32
    %cond3A_18 = arith.constant 0 : i32
    %cond3A_19 = arith.cmpi ne, %convert_element_type3A_17, %cond3A_18 : i32
    scf.if %cond3A_19 {
      %mul3A_84 = arith.constant 128 : i32
      %mul3A_85 = arith.muli %add3A_12, %mul3A_84 : i32
      %dma_start3A = arith.constant 0 : i32
      %dma_start3A_86 = tpu.memref_slice %arg2[%dma_start3A, %mul3A_5] : memref<160000x256xf32, #tpu.memory_space<hbm>> -> memref<160000x128xf32, #tpu.memory_space<hbm>>
      %dma_start3A_87 = arith.constant 0 : i32
      %dma_start3A_88 = tpu.memref_slice %dma_start3A_86[%mul3A_85, %dma_start3A_87] : memref<160000x128xf32, #tpu.memory_space<hbm>> -> memref<128x128xf32, #tpu.memory_space<hbm>>
      %dma_start3A_89 = arith.constant 0 : i32
      %dma_start3A_90 = tpu.memref_slice %arg2[%dma_start3A_89, %mul3A_5] : memref<160000x256xf32, #tpu.memory_space<hbm>> -> memref<160000x128xf32, #tpu.memory_space<hbm>>
      %dma_start3A_91 = arith.constant 0 : i32
      %dma_start3A_92 = tpu.memref_slice %dma_start3A_90[%mul3A_85, %dma_start3A_91] : memref<160000x128xf32, #tpu.memory_space<hbm>> -> memref<128x128xf32, #tpu.memory_space<hbm>>
      tpu.enqueue_dma source(%dma_start3A_92 : memref<128x128xf32, #tpu.memory_space<hbm>>) target(%arg9 : memref<128x128xf32, #tpu.memory_space<vmem>>) target_semaphore(%arg13 : memref<!tpu.dma_semaphore, #tpu.memory_space<semaphore_mem>>)
      %dma_start3A_93 = arith.constant 0 : i32
      %dma_start3A_94 = arith.constant 0 : i32
      %dma_start3A_95 = tpu.memref_slice %arg11[%dma_start3A_93, %dma_start3A_94] : memref<2x128xi32, #tpu.memory_space<vmem>> -> memref<1x128xi32, #tpu.memory_space<vmem>>
      %dma_start3A_96 = tpu.memref_squeeze %dma_start3A_95 : memref<1x128xi32, #tpu.memory_space<vmem>> -> memref<128xi32, #tpu.memory_space<vmem>>
      %dma_start3A_97 = arith.constant 0 : i32
      %dma_start3A_98 = tpu.memref_slice %arg4[%add3A_12, %dma_start3A_97] : memref<1250x128xi32, #tpu.memory_space<hbm>> -> memref<1x128xi32, #tpu.memory_space<hbm>>
      %dma_start3A_99 = tpu.memref_squeeze %dma_start3A_98 : memref<1x128xi32, #tpu.memory_space<hbm>> -> memref<128xi32, #tpu.memory_space<hbm>>
      %dma_start3A_100 = arith.constant 0 : i32
      %dma_start3A_101 = tpu.memref_slice %arg11[%dma_start3A_93, %dma_start3A_100] : memref<2x128xi32, #tpu.memory_space<vmem>> -> memref<1x128xi32, #tpu.memory_space<vmem>>
      %dma_start3A_102 = tpu.memref_squeeze %dma_start3A_101 : memref<1x128xi32, #tpu.memory_space<vmem>> -> memref<128xi32, #tpu.memory_space<vmem>>
      %dma_start3A_103 = arith.constant 0 : i32
      %dma_start3A_104 = tpu.memref_slice %arg4[%add3A_12, %dma_start3A_103] : memref<1250x128xi32, #tpu.memory_space<hbm>> -> memref<1x128xi32, #tpu.memory_space<hbm>>
      %dma_start3A_105 = tpu.memref_squeeze %dma_start3A_104 : memref<1x128xi32, #tpu.memory_space<hbm>> -> memref<128xi32, #tpu.memory_space<hbm>>
      tpu.enqueue_dma source(%dma_start3A_105 : memref<128xi32, #tpu.memory_space<hbm>>) target(%dma_start3A_102 : memref<128xi32, #tpu.memory_space<vmem>>) target_semaphore(%arg13 : memref<!tpu.dma_semaphore, #tpu.memory_space<semaphore_mem>>)
    } else {
    }
    %scan3A_20 = arith.constant 0 : i32
    %scan3A_21 = arith.constant 0 : i32
    %scan3A_22 = arith.constant 40 : i32
    %scan3A_23 = arith.addi %scan3A_21, %scan3A_22 : i32
    %scan3A_24 = arith.constant 1 : i32
    scf.for %scan3A_84 = %scan3A_21 to %scan3A_23 step %scan3A_24  : i32 {
      %mul3A_85 = arith.constant 2 : i32
      %mul3A_86 = arith.muli %mul3A_85, %scan3A_84 : i32
      %mul3A_87 = arith.constant 16 : i32
      %mul3A_88 = arith.muli %mul3A_87, %mul3A_86 : i32
      %add3A_89 = arith.addi %arg1, %mul3A_88 : i32
      %lt3A_90 = arith.constant 1250 : i32
      %lt3A_91 = arith.cmpi slt, %add3A_89, %lt3A_90 : i32
      %convert_element_type3A_92 = arith.extui %lt3A_91 : i1 to i32
      %cond3A_93 = arith.constant 0 : i32
      %cond3A_94 = arith.cmpi ne, %convert_element_type3A_92, %cond3A_93 : i32
      scf.if %cond3A_94 {
        %dma_wait3A = arith.constant 0 : i32
        %dma_wait3A_131 = tpu.memref_slice %arg2[%dma_wait3A, %mul3A_5] : memref<160000x256xf32, #tpu.memory_space<hbm>> -> memref<160000x128xf32, #tpu.memory_space<hbm>>
        %dma_wait3A_132 = arith.constant 0 : i32
        %dma_wait3A_133 = arith.constant 0 : i32
        %dma_wait3A_134 = tpu.memref_slice %dma_wait3A_131[%dma_wait3A_132, %dma_wait3A_133] : memref<160000x128xf32, #tpu.memory_space<hbm>> -> memref<128x128xf32, #tpu.memory_space<hbm>>
        %dma_wait3A_135 = arith.constant 0 : i32
        %dma_wait3A_136 = tpu.memref_slice %arg2[%dma_wait3A_135, %mul3A_5] : memref<160000x256xf32, #tpu.memory_space<hbm>> -> memref<160000x128xf32, #tpu.memory_space<hbm>>
        %dma_wait3A_137 = arith.constant 0 : i32
        %dma_wait3A_138 = arith.constant 0 : i32
        %dma_wait3A_139 = tpu.memref_slice %dma_wait3A_136[%dma_wait3A_137, %dma_wait3A_138] : memref<160000x128xf32, #tpu.memory_space<hbm>> -> memref<128x128xf32, #tpu.memory_space<hbm>>
        tpu.wait_dma2 semaphore(%arg12 : memref<!tpu.dma_semaphore, #tpu.memory_space<semaphore_mem>>) src(%dma_wait3A_139 : memref<128x128xf32, #tpu.memory_space<hbm>>) dst(%arg8 : memref<128x128xf32, #tpu.memory_space<vmem>>)
        %dma_wait3A_140 = arith.constant 0 : i32
        %dma_wait3A_141 = arith.constant 0 : i32
        %dma_wait3A_142 = arith.constant 0 : i32
        %dma_wait3A_143 = tpu.memref_slice %arg10[%dma_wait3A_141, %dma_wait3A_142] : memref<2x128xi32, #tpu.memory_space<vmem>> -> memref<1x128xi32, #tpu.memory_space<vmem>>
        %dma_wait3A_144 = tpu.memref_squeeze %dma_wait3A_143 : memref<1x128xi32, #tpu.memory_space<vmem>> -> memref<128xi32, #tpu.memory_space<vmem>>
        %dma_wait3A_145 = arith.constant 0 : i32
        %dma_wait3A_146 = tpu.memref_slice %arg4[%dma_wait3A_140, %dma_wait3A_145] : memref<1250x128xi32, #tpu.memory_space<hbm>> -> memref<1x128xi32, #tpu.memory_space<hbm>>
        %dma_wait3A_147 = tpu.memref_squeeze %dma_wait3A_146 : memref<1x128xi32, #tpu.memory_space<hbm>> -> memref<128xi32, #tpu.memory_space<hbm>>
        %dma_wait3A_148 = arith.constant 0 : i32
        %dma_wait3A_149 = tpu.memref_slice %arg10[%dma_wait3A_141, %dma_wait3A_148] : memref<2x128xi32, #tpu.memory_space<vmem>> -> memref<1x128xi32, #tpu.memory_space<vmem>>
        %dma_wait3A_150 = tpu.memref_squeeze %dma_wait3A_149 : memref<1x128xi32, #tpu.memory_space<vmem>> -> memref<128xi32, #tpu.memory_space<vmem>>
        %dma_wait3A_151 = arith.constant 0 : i32
        %dma_wait3A_152 = tpu.memref_slice %arg4[%dma_wait3A_140, %dma_wait3A_151] : memref<1250x128xi32, #tpu.memory_space<hbm>> -> memref<1x128xi32, #tpu.memory_space<hbm>>
        %dma_wait3A_153 = tpu.memref_squeeze %dma_wait3A_152 : memref<1x128xi32, #tpu.memory_space<hbm>> -> memref<128xi32, #tpu.memory_space<hbm>>
        tpu.wait_dma2 semaphore(%arg12 : memref<!tpu.dma_semaphore, #tpu.memory_space<semaphore_mem>>) src(%dma_wait3A_153 : memref<128xi32, #tpu.memory_space<hbm>>) dst(%dma_wait3A_150 : memref<128xi32, #tpu.memory_space<vmem>>)
        %run_scoped3A = arith.constant 0 : i32
        "tpu.region"() ({
          %run_scoped3A_154 = tpu.sem_alloc : memref<!tpu.dma_semaphore, #tpu.memory_space<semaphore_mem>>
          %dma_start3A = arith.constant 0 : i32
          %dma_start3A_155 = tpu.memref_slice %arg10[%run_scoped3A, %dma_start3A] : memref<2x128xi32, #tpu.memory_space<vmem>> -> memref<1x128xi32, #tpu.memory_space<vmem>>
          %dma_start3A_156 = tpu.memref_squeeze %dma_start3A_155 : memref<1x128xi32, #tpu.memory_space<vmem>> -> memref<128xi32, #tpu.memory_space<vmem>>
          %dma_start3A_157 = arith.constant 0 : i32
          %dma_start3A_158 = arith.constant 0 : i32
          %dma_start3A_159 = tpu.memref_slice %arg14[%dma_start3A_157, %dma_start3A_158] : memref<10240x128xf32, #tpu.memory_space<vmem_shared>> -> memref<10240x128xf32, #tpu.memory_space<vmem_shared>>
          tpu.enqueue_indirect_dma source(%arg8 : memref<128x128xf32, #tpu.memory_space<vmem>>) target(%dma_start3A_159 : memref<10240x128xf32, #tpu.memory_space<vmem_shared>>) offsets(%dma_start3A_156 : memref<128xi32, #tpu.memory_space<vmem>>) semaphore(%run_scoped3A_154 : memref<!tpu.dma_semaphore, #tpu.memory_space<semaphore_mem>>) {add = true}
          %dma_wait3A_160 = arith.constant 0 : i32
          %dma_wait3A_161 = tpu.memref_slice %arg10[%run_scoped3A, %dma_wait3A_160] : memref<2x128xi32, #tpu.memory_space<vmem>> -> memref<1x128xi32, #tpu.memory_space<vmem>>
          %dma_wait3A_162 = tpu.memref_squeeze %dma_wait3A_161 : memref<1x128xi32, #tpu.memory_space<vmem>> -> memref<128xi32, #tpu.memory_space<vmem>>
          %dma_wait3A_163 = arith.constant 0 : i32
          %dma_wait3A_164 = arith.constant 0 : i32
          %dma_wait3A_165 = tpu.memref_slice %arg14[%dma_wait3A_163, %dma_wait3A_164] : memref<10240x128xf32, #tpu.memory_space<vmem_shared>> -> memref<10240x128xf32, #tpu.memory_space<vmem_shared>>
          tpu.wait_indirect_dma semaphore(%run_scoped3A_154 : memref<!tpu.dma_semaphore, #tpu.memory_space<semaphore_mem>>) src(%arg8 : memref<128x128xf32, #tpu.memory_space<vmem>>) dst(%dma_wait3A_165 : memref<10240x128xf32, #tpu.memory_space<vmem_shared>>)
          tpu.yield
        }) : () -> ()
      } else {
      }
      %add3A_95 = arith.constant 2 : i32
      %add3A_96 = arith.addi %mul3A_86, %add3A_95 : i32
      %mul3A_97 = arith.constant 16 : i32
      %mul3A_98 = arith.muli %mul3A_97, %add3A_96 : i32
      %add3A_99 = arith.addi %arg1, %mul3A_98 : i32
      %mul3A_100 = arith.constant 16 : i32
      %mul3A_101 = arith.muli %mul3A_100, %add3A_96 : i32
      %add3A_102 = arith.addi %arg1, %mul3A_101 : i32
      %lt3A_103 = arith.constant 1250 : i32
      %lt3A_104 = arith.cmpi slt, %add3A_102, %lt3A_103 : i32
      %convert_element_type3A_105 = arith.extui %lt3A_104 : i1 to i32
      %cond3A_106 = arith.constant 0 : i32
      %cond3A_107 = arith.cmpi ne, %convert_element_type3A_105, %cond3A_106 : i32
      scf.if %cond3A_107 {
        %mul3A_131 = arith.constant 128 : i32
        %mul3A_132 = arith.muli %add3A_99, %mul3A_131 : i32
        %dma_start3A = arith.constant 0 : i32
        %dma_start3A_133 = tpu.memref_slice %arg2[%dma_start3A, %mul3A_5] : memref<160000x256xf32, #tpu.memory_space<hbm>> -> memref<160000x128xf32, #tpu.memory_space<hbm>>
        %dma_start3A_134 = arith.constant 0 : i32
        %dma_start3A_135 = tpu.memref_slice %dma_start3A_133[%mul3A_132, %dma_start3A_134] : memref<160000x128xf32, #tpu.memory_space<hbm>> -> memref<128x128xf32, #tpu.memory_space<hbm>>
        %dma_start3A_136 = arith.constant 0 : i32
        %dma_start3A_137 = tpu.memref_slice %arg2[%dma_start3A_136, %mul3A_5] : memref<160000x256xf32, #tpu.memory_space<hbm>> -> memref<160000x128xf32, #tpu.memory_space<hbm>>
        %dma_start3A_138 = arith.constant 0 : i32
        %dma_start3A_139 = tpu.memref_slice %dma_start3A_137[%mul3A_132, %dma_start3A_138] : memref<160000x128xf32, #tpu.memory_space<hbm>> -> memref<128x128xf32, #tpu.memory_space<hbm>>
        tpu.enqueue_dma source(%dma_start3A_139 : memref<128x128xf32, #tpu.memory_space<hbm>>) target(%arg8 : memref<128x128xf32, #tpu.memory_space<vmem>>) target_semaphore(%arg12 : memref<!tpu.dma_semaphore, #tpu.memory_space<semaphore_mem>>)
        %dma_start3A_140 = arith.constant 0 : i32
        %dma_start3A_141 = arith.constant 0 : i32
        %dma_start3A_142 = tpu.memref_slice %arg10[%dma_start3A_140, %dma_start3A_141] : memref<2x128xi32, #tpu.memory_space<vmem>> -> memref<1x128xi32, #tpu.memory_space<vmem>>
        %dma_start3A_143 = tpu.memref_squeeze %dma_start3A_142 : memref<1x128xi32, #tpu.memory_space<vmem>> -> memref<128xi32, #tpu.memory_space<vmem>>
        %dma_start3A_144 = arith.constant 0 : i32
        %dma_start3A_145 = tpu.memref_slice %arg4[%add3A_99, %dma_start3A_144] : memref<1250x128xi32, #tpu.memory_space<hbm>> -> memref<1x128xi32, #tpu.memory_space<hbm>>
        %dma_start3A_146 = tpu.memref_squeeze %dma_start3A_145 : memref<1x128xi32, #tpu.memory_space<hbm>> -> memref<128xi32, #tpu.memory_space<hbm>>
        %dma_start3A_147 = arith.constant 0 : i32
        %dma_start3A_148 = tpu.memref_slice %arg10[%dma_start3A_140, %dma_start3A_147] : memref<2x128xi32, #tpu.memory_space<vmem>> -> memref<1x128xi32, #tpu.memory_space<vmem>>
        %dma_start3A_149 = tpu.memref_squeeze %dma_start3A_148 : memref<1x128xi32, #tpu.memory_space<vmem>> -> memref<128xi32, #tpu.memory_space<vmem>>
        %dma_start3A_150 = arith.constant 0 : i32
        %dma_start3A_151 = tpu.memref_slice %arg4[%add3A_99, %dma_start3A_150] : memref<1250x128xi32, #tpu.memory_space<hbm>> -> memref<1x128xi32, #tpu.memory_space<hbm>>
        %dma_start3A_152 = tpu.memref_squeeze %dma_start3A_151 : memref<1x128xi32, #tpu.memory_space<hbm>> -> memref<128xi32, #tpu.memory_space<hbm>>
        tpu.enqueue_dma source(%dma_start3A_152 : memref<128xi32, #tpu.memory_space<hbm>>) target(%dma_start3A_149 : memref<128xi32, #tpu.memory_space<vmem>>) target_semaphore(%arg12 : memref<!tpu.dma_semaphore, #tpu.memory_space<semaphore_mem>>)
      } else {
      }
      %add3A_108 = arith.constant 1 : i32
      %add3A_109 = arith.addi %mul3A_86, %add3A_108 : i32
      %mul3A_110 = arith.constant 16 : i32
      %mul3A_111 = arith.muli %mul3A_110, %add3A_109 : i32
      %add3A_112 = arith.addi %arg1, %mul3A_111 : i32
      %lt3A_113 = arith.constant 1250 : i32
      %lt3A_114 = arith.cmpi slt, %add3A_112, %lt3A_113 : i32
      %convert_element_type3A_115 = arith.extui %lt3A_114 : i1 to i32
      %cond3A_116 = arith.constant 0 : i32
      %cond3A_117 = arith.cmpi ne, %convert_element_type3A_115, %cond3A_116 : i32
      scf.if %cond3A_117 {
        %dma_wait3A = arith.constant 0 : i32
        %dma_wait3A_131 = tpu.memref_slice %arg2[%dma_wait3A, %mul3A_5] : memref<160000x256xf32, #tpu.memory_space<hbm>> -> memref<160000x128xf32, #tpu.memory_space<hbm>>
        %dma_wait3A_132 = arith.constant 0 : i32
        %dma_wait3A_133 = arith.constant 0 : i32
        %dma_wait3A_134 = tpu.memref_slice %dma_wait3A_131[%dma_wait3A_132, %dma_wait3A_133] : memref<160000x128xf32, #tpu.memory_space<hbm>> -> memref<128x128xf32, #tpu.memory_space<hbm>>
        %dma_wait3A_135 = arith.constant 0 : i32
        %dma_wait3A_136 = tpu.memref_slice %arg2[%dma_wait3A_135, %mul3A_5] : memref<160000x256xf32, #tpu.memory_space<hbm>> -> memref<160000x128xf32, #tpu.memory_space<hbm>>
        %dma_wait3A_137 = arith.constant 0 : i32
        %dma_wait3A_138 = arith.constant 0 : i32
        %dma_wait3A_139 = tpu.memref_slice %dma_wait3A_136[%dma_wait3A_137, %dma_wait3A_138] : memref<160000x128xf32, #tpu.memory_space<hbm>> -> memref<128x128xf32, #tpu.memory_space<hbm>>
        tpu.wait_dma2 semaphore(%arg13 : memref<!tpu.dma_semaphore, #tpu.memory_space<semaphore_mem>>) src(%dma_wait3A_139 : memref<128x128xf32, #tpu.memory_space<hbm>>) dst(%arg9 : memref<128x128xf32, #tpu.memory_space<vmem>>)
        %dma_wait3A_140 = arith.constant 0 : i32
        %dma_wait3A_141 = arith.constant 0 : i32
        %dma_wait3A_142 = arith.constant 0 : i32
        %dma_wait3A_143 = tpu.memref_slice %arg11[%dma_wait3A_141, %dma_wait3A_142] : memref<2x128xi32, #tpu.memory_space<vmem>> -> memref<1x128xi32, #tpu.memory_space<vmem>>
        %dma_wait3A_144 = tpu.memref_squeeze %dma_wait3A_143 : memref<1x128xi32, #tpu.memory_space<vmem>> -> memref<128xi32, #tpu.memory_space<vmem>>
        %dma_wait3A_145 = arith.constant 0 : i32
        %dma_wait3A_146 = tpu.memref_slice %arg4[%dma_wait3A_140, %dma_wait3A_145] : memref<1250x128xi32, #tpu.memory_space<hbm>> -> memref<1x128xi32, #tpu.memory_space<hbm>>
        %dma_wait3A_147 = tpu.memref_squeeze %dma_wait3A_146 : memref<1x128xi32, #tpu.memory_space<hbm>> -> memref<128xi32, #tpu.memory_space<hbm>>
        %dma_wait3A_148 = arith.constant 0 : i32
        %dma_wait3A_149 = tpu.memref_slice %arg11[%dma_wait3A_141, %dma_wait3A_148] : memref<2x128xi32, #tpu.memory_space<vmem>> -> memref<1x128xi32, #tpu.memory_space<vmem>>
        %dma_wait3A_150 = tpu.memref_squeeze %dma_wait3A_149 : memref<1x128xi32, #tpu.memory_space<vmem>> -> memref<128xi32, #tpu.memory_space<vmem>>
        %dma_wait3A_151 = arith.constant 0 : i32
        %dma_wait3A_152 = tpu.memref_slice %arg4[%dma_wait3A_140, %dma_wait3A_151] : memref<1250x128xi32, #tpu.memory_space<hbm>> -> memref<1x128xi32, #tpu.memory_space<hbm>>
        %dma_wait3A_153 = tpu.memref_squeeze %dma_wait3A_152 : memref<1x128xi32, #tpu.memory_space<hbm>> -> memref<128xi32, #tpu.memory_space<hbm>>
        tpu.wait_dma2 semaphore(%arg13 : memref<!tpu.dma_semaphore, #tpu.memory_space<semaphore_mem>>) src(%dma_wait3A_153 : memref<128xi32, #tpu.memory_space<hbm>>) dst(%dma_wait3A_150 : memref<128xi32, #tpu.memory_space<vmem>>)
        %run_scoped3A = arith.constant 0 : i32
        "tpu.region"() ({
          %run_scoped3A_154 = tpu.sem_alloc : memref<!tpu.dma_semaphore, #tpu.memory_space<semaphore_mem>>
          %dma_start3A = arith.constant 0 : i32
          %dma_start3A_155 = tpu.memref_slice %arg11[%run_scoped3A, %dma_start3A] : memref<2x128xi32, #tpu.memory_space<vmem>> -> memref<1x128xi32, #tpu.memory_space<vmem>>
          %dma_start3A_156 = tpu.memref_squeeze %dma_start3A_155 : memref<1x128xi32, #tpu.memory_space<vmem>> -> memref<128xi32, #tpu.memory_space<vmem>>
          %dma_start3A_157 = arith.constant 0 : i32
          %dma_start3A_158 = arith.constant 0 : i32
          %dma_start3A_159 = tpu.memref_slice %arg14[%dma_start3A_157, %dma_start3A_158] : memref<10240x128xf32, #tpu.memory_space<vmem_shared>> -> memref<10240x128xf32, #tpu.memory_space<vmem_shared>>
          tpu.enqueue_indirect_dma source(%arg9 : memref<128x128xf32, #tpu.memory_space<vmem>>) target(%dma_start3A_159 : memref<10240x128xf32, #tpu.memory_space<vmem_shared>>) offsets(%dma_start3A_156 : memref<128xi32, #tpu.memory_space<vmem>>) semaphore(%run_scoped3A_154 : memref<!tpu.dma_semaphore, #tpu.memory_space<semaphore_mem>>) {add = true}
          %dma_wait3A_160 = arith.constant 0 : i32
          %dma_wait3A_161 = tpu.memref_slice %arg11[%run_scoped3A, %dma_wait3A_160] : memref<2x128xi32, #tpu.memory_space<vmem>> -> memref<1x128xi32, #tpu.memory_space<vmem>>
          %dma_wait3A_162 = tpu.memref_squeeze %dma_wait3A_161 : memref<1x128xi32, #tpu.memory_space<vmem>> -> memref<128xi32, #tpu.memory_space<vmem>>
          %dma_wait3A_163 = arith.constant 0 : i32
          %dma_wait3A_164 = arith.constant 0 : i32
          %dma_wait3A_165 = tpu.memref_slice %arg14[%dma_wait3A_163, %dma_wait3A_164] : memref<10240x128xf32, #tpu.memory_space<vmem_shared>> -> memref<10240x128xf32, #tpu.memory_space<vmem_shared>>
          tpu.wait_indirect_dma semaphore(%run_scoped3A_154 : memref<!tpu.dma_semaphore, #tpu.memory_space<semaphore_mem>>) src(%arg9 : memref<128x128xf32, #tpu.memory_space<vmem>>) dst(%dma_wait3A_165 : memref<10240x128xf32, #tpu.memory_space<vmem_shared>>)
          tpu.yield
        }) : () -> ()
      } else {
      }
      %add3A_118 = arith.constant 3 : i32
      %add3A_119 = arith.addi %mul3A_86, %add3A_118 : i32
      %mul3A_120 = arith.constant 16 : i32
      %mul3A_121 = arith.muli %mul3A_120, %add3A_119 : i32
      %add3A_122 = arith.addi %arg1, %mul3A_121 : i32
      %mul3A_123 = arith.constant 16 : i32
      %mul3A_124 = arith.muli %mul3A_123, %add3A_119 : i32
      %add3A_125 = arith.addi %arg1, %mul3A_124 : i32
      %lt3A_126 = arith.constant 1250 : i32
      %lt3A_127 = arith.cmpi slt, %add3A_125, %lt3A_126 : i32
      %convert_element_type3A_128 = arith.extui %lt3A_127 : i1 to i32
      %cond3A_129 = arith.constant 0 : i32
      %cond3A_130 = arith.cmpi ne, %convert_element_type3A_128, %cond3A_129 : i32
      scf.if %cond3A_130 {
        %mul3A_131 = arith.constant 128 : i32
        %mul3A_132 = arith.muli %add3A_122, %mul3A_131 : i32
        %dma_start3A = arith.constant 0 : i32
        %dma_start3A_133 = tpu.memref_slice %arg2[%dma_start3A, %mul3A_5] : memref<160000x256xf32, #tpu.memory_space<hbm>> -> memref<160000x128xf32, #tpu.memory_space<hbm>>
        %dma_start3A_134 = arith.constant 0 : i32
        %dma_start3A_135 = tpu.memref_slice %dma_start3A_133[%mul3A_132, %dma_start3A_134] : memref<160000x128xf32, #tpu.memory_space<hbm>> -> memref<128x128xf32, #tpu.memory_space<hbm>>
        %dma_start3A_136 = arith.constant 0 : i32
        %dma_start3A_137 = tpu.memref_slice %arg2[%dma_start3A_136, %mul3A_5] : memref<160000x256xf32, #tpu.memory_space<hbm>> -> memref<160000x128xf32, #tpu.memory_space<hbm>>
        %dma_start3A_138 = arith.constant 0 : i32
        %dma_start3A_139 = tpu.memref_slice %dma_start3A_137[%mul3A_132, %dma_start3A_138] : memref<160000x128xf32, #tpu.memory_space<hbm>> -> memref<128x128xf32, #tpu.memory_space<hbm>>
        tpu.enqueue_dma source(%dma_start3A_139 : memref<128x128xf32, #tpu.memory_space<hbm>>) target(%arg9 : memref<128x128xf32, #tpu.memory_space<vmem>>) target_semaphore(%arg13 : memref<!tpu.dma_semaphore, #tpu.memory_space<semaphore_mem>>)
        %dma_start3A_140 = arith.constant 0 : i32
        %dma_start3A_141 = arith.constant 0 : i32
        %dma_start3A_142 = tpu.memref_slice %arg11[%dma_start3A_140, %dma_start3A_141] : memref<2x128xi32, #tpu.memory_space<vmem>> -> memref<1x128xi32, #tpu.memory_space<vmem>>
        %dma_start3A_143 = tpu.memref_squeeze %dma_start3A_142 : memref<1x128xi32, #tpu.memory_space<vmem>> -> memref<128xi32, #tpu.memory_space<vmem>>
        %dma_start3A_144 = arith.constant 0 : i32
        %dma_start3A_145 = tpu.memref_slice %arg4[%add3A_122, %dma_start3A_144] : memref<1250x128xi32, #tpu.memory_space<hbm>> -> memref<1x128xi32, #tpu.memory_space<hbm>>
        %dma_start3A_146 = tpu.memref_squeeze %dma_start3A_145 : memref<1x128xi32, #tpu.memory_space<hbm>> -> memref<128xi32, #tpu.memory_space<hbm>>
        %dma_start3A_147 = arith.constant 0 : i32
        %dma_start3A_148 = tpu.memref_slice %arg11[%dma_start3A_140, %dma_start3A_147] : memref<2x128xi32, #tpu.memory_space<vmem>> -> memref<1x128xi32, #tpu.memory_space<vmem>>
        %dma_start3A_149 = tpu.memref_squeeze %dma_start3A_148 : memref<1x128xi32, #tpu.memory_space<vmem>> -> memref<128xi32, #tpu.memory_space<vmem>>
        %dma_start3A_150 = arith.constant 0 : i32
        %dma_start3A_151 = tpu.memref_slice %arg4[%add3A_122, %dma_start3A_150] : memref<1250x128xi32, #tpu.memory_space<hbm>> -> memref<1x128xi32, #tpu.memory_space<hbm>>
        %dma_start3A_152 = tpu.memref_squeeze %dma_start3A_151 : memref<1x128xi32, #tpu.memory_space<hbm>> -> memref<128xi32, #tpu.memory_space<hbm>>
        tpu.enqueue_dma source(%dma_start3A_152 : memref<128xi32, #tpu.memory_space<hbm>>) target(%dma_start3A_149 : memref<128xi32, #tpu.memory_space<vmem>>) target_semaphore(%arg13 : memref<!tpu.dma_semaphore, #tpu.memory_space<semaphore_mem>>)
      } else {
      }
    }
    %scan3A_25 = arith.constant 40 : i32
    %barrier3A_26 = arith.constant 0 : index
    tpu.barrier barrier_id(%barrier3A_26)
    %scan3A_27 = arith.constant 0 : i32
    %scan3A_28 = arith.constant 0 : i32
    %scan3A_29 = arith.constant 5 : i32
    %scan3A_30 = arith.addi %scan3A_28, %scan3A_29 : i32
    %scan3A_31 = arith.constant 1 : i32
    scf.for %scan3A_84 = %scan3A_28 to %scan3A_30 step %scan3A_31  : i32 {
      %mul3A_85 = arith.constant 640 : i32
      %mul3A_86 = arith.muli %arg1, %mul3A_85 : i32
      %mul3A_87 = arith.constant 128 : i32
      %mul3A_88 = arith.muli %scan3A_84, %mul3A_87 : i32
      %add3A_89 = arith.addi %mul3A_86, %mul3A_88 : i32
      "tpu.region"() ({
        %run_scoped3A = tpu.sem_alloc : memref<!tpu.dma_semaphore, #tpu.memory_space<semaphore_mem>>
        %dma_start3A = arith.constant 0 : i32
        %dma_start3A_92 = tpu.memref_slice %arg14[%add3A_89, %dma_start3A] : memref<10240x128xf32, #tpu.memory_space<vmem_shared>> -> memref<128x128xf32, #tpu.memory_space<vmem_shared>>
        %dma_start3A_93 = arith.constant 0 : i32
        %dma_start3A_94 = tpu.memref_slice %arg14[%add3A_89, %dma_start3A_93] : memref<10240x128xf32, #tpu.memory_space<vmem_shared>> -> memref<128x128xf32, #tpu.memory_space<vmem_shared>>
        tpu.enqueue_dma source(%dma_start3A_94 : memref<128x128xf32, #tpu.memory_space<vmem_shared>>) target(%arg9 : memref<128x128xf32, #tpu.memory_space<vmem>>) target_semaphore(%run_scoped3A : memref<!tpu.dma_semaphore, #tpu.memory_space<semaphore_mem>>)
        %dma_wait3A = arith.constant 0 : i32
        %dma_wait3A_95 = tpu.memref_slice %arg14[%add3A_89, %dma_wait3A] : memref<10240x128xf32, #tpu.memory_space<vmem_shared>> -> memref<128x128xf32, #tpu.memory_space<vmem_shared>>
        %dma_wait3A_96 = arith.constant 0 : i32
        %dma_wait3A_97 = tpu.memref_slice %arg14[%add3A_89, %dma_wait3A_96] : memref<10240x128xf32, #tpu.memory_space<vmem_shared>> -> memref<128x128xf32, #tpu.memory_space<vmem_shared>>
        tpu.wait_dma2 semaphore(%run_scoped3A : memref<!tpu.dma_semaphore, #tpu.memory_space<semaphore_mem>>) src(%dma_wait3A_97 : memref<128x128xf32, #tpu.memory_space<vmem_shared>>) dst(%arg9 : memref<128x128xf32, #tpu.memory_space<vmem>>)
        tpu.yield
      }) : () -> ()
      %mul3A_90 = arith.constant 128 : i32
      %mul3A_91 = arith.muli %arg0, %mul3A_90 : i32
      "tpu.region"() ({
        %run_scoped3A = tpu.sem_alloc : memref<!tpu.dma_semaphore, #tpu.memory_space<semaphore_mem>>
        %dma_start3A = tpu.memref_slice %arg6[%add3A_89, %mul3A_91] : memref<10240x256xf32, #tpu.memory_space<hbm>> -> memref<128x128xf32, #tpu.memory_space<hbm>>
        %dma_start3A_92 = tpu.memref_slice %arg6[%add3A_89, %mul3A_91] : memref<10240x256xf32, #tpu.memory_space<hbm>> -> memref<128x128xf32, #tpu.memory_space<hbm>>
        tpu.enqueue_dma source(%arg9 : memref<128x128xf32, #tpu.memory_space<vmem>>) target(%dma_start3A_92 : memref<128x128xf32, #tpu.memory_space<hbm>>) target_semaphore(%run_scoped3A : memref<!tpu.dma_semaphore, #tpu.memory_space<semaphore_mem>>)
        %dma_wait3A = tpu.memref_slice %arg6[%add3A_89, %mul3A_91] : memref<10240x256xf32, #tpu.memory_space<hbm>> -> memref<128x128xf32, #tpu.memory_space<hbm>>
        %dma_wait3A_93 = tpu.memref_slice %arg6[%add3A_89, %mul3A_91] : memref<10240x256xf32, #tpu.memory_space<hbm>> -> memref<128x128xf32, #tpu.memory_space<hbm>>
        tpu.wait_dma2 semaphore(%run_scoped3A : memref<!tpu.dma_semaphore, #tpu.memory_space<semaphore_mem>>) src(%arg9 : memref<128x128xf32, #tpu.memory_space<vmem>>) dst(%dma_wait3A_93 : memref<128x128xf32, #tpu.memory_space<hbm>>)
        tpu.yield
      }) : () -> ()
    }
    %scan3A_32 = arith.constant 5 : i32
    %barrier3A_33 = arith.constant 0 : index
    tpu.barrier barrier_id(%barrier3A_33)
    "tpu.region"() ({
      %run_scoped3A = tpu.sem_alloc : memref<!tpu.dma_semaphore, #tpu.memory_space<semaphore_mem>>
      tpu.enqueue_dma source(%arg5 : memref<128x128xf32, #tpu.memory_space<hbm>>) target(%arg8 : memref<128x128xf32, #tpu.memory_space<vmem>>) target_semaphore(%run_scoped3A : memref<!tpu.dma_semaphore, #tpu.memory_space<semaphore_mem>>)
      tpu.wait_dma2 semaphore(%run_scoped3A : memref<!tpu.dma_semaphore, #tpu.memory_space<semaphore_mem>>) src(%arg5 : memref<128x128xf32, #tpu.memory_space<hbm>>) dst(%arg8 : memref<128x128xf32, #tpu.memory_space<vmem>>)
      tpu.yield
    }) : () -> ()
    %scan3A_34 = arith.constant 0 : i32
    %scan3A_35 = arith.constant 0 : i32
    %scan3A_36 = arith.constant 5 : i32
    %scan3A_37 = arith.addi %scan3A_35, %scan3A_36 : i32
    %scan3A_38 = arith.constant 1 : i32
    scf.for %scan3A_84 = %scan3A_35 to %scan3A_37 step %scan3A_38  : i32 {
      %mul3A_85 = arith.constant 640 : i32
      %mul3A_86 = arith.muli %arg1, %mul3A_85 : i32
      %mul3A_87 = arith.constant 128 : i32
      %mul3A_88 = arith.muli %scan3A_84, %mul3A_87 : i32
      %add3A_89 = arith.addi %mul3A_86, %mul3A_88 : i32
      "tpu.region"() ({
        %run_scoped3A = tpu.sem_alloc : memref<!tpu.dma_semaphore, #tpu.memory_space<semaphore_mem>>
        %dma_start3A = arith.constant 0 : i32
        %dma_start3A_90 = tpu.memref_slice %arg14[%add3A_89, %dma_start3A] : memref<10240x128xf32, #tpu.memory_space<vmem_shared>> -> memref<128x128xf32, #tpu.memory_space<vmem_shared>>
        %dma_start3A_91 = arith.constant 0 : i32
        %dma_start3A_92 = tpu.memref_slice %arg14[%add3A_89, %dma_start3A_91] : memref<10240x128xf32, #tpu.memory_space<vmem_shared>> -> memref<128x128xf32, #tpu.memory_space<vmem_shared>>
        tpu.enqueue_dma source(%arg8 : memref<128x128xf32, #tpu.memory_space<vmem>>) target(%dma_start3A_92 : memref<128x128xf32, #tpu.memory_space<vmem_shared>>) target_semaphore(%run_scoped3A : memref<!tpu.dma_semaphore, #tpu.memory_space<semaphore_mem>>)
        %dma_wait3A = arith.constant 0 : i32
        %dma_wait3A_93 = tpu.memref_slice %arg14[%add3A_89, %dma_wait3A] : memref<10240x128xf32, #tpu.memory_space<vmem_shared>> -> memref<128x128xf32, #tpu.memory_space<vmem_shared>>
        %dma_wait3A_94 = arith.constant 0 : i32
        %dma_wait3A_95 = tpu.memref_slice %arg14[%add3A_89, %dma_wait3A_94] : memref<10240x128xf32, #tpu.memory_space<vmem_shared>> -> memref<128x128xf32, #tpu.memory_space<vmem_shared>>
        tpu.wait_dma2 semaphore(%run_scoped3A : memref<!tpu.dma_semaphore, #tpu.memory_space<semaphore_mem>>) src(%arg8 : memref<128x128xf32, #tpu.memory_space<vmem>>) dst(%dma_wait3A_95 : memref<128x128xf32, #tpu.memory_space<vmem_shared>>)
        tpu.yield
      }) : () -> ()
    }
    %scan3A_39 = arith.constant 5 : i32
    %barrier3A_40 = arith.constant 0 : index
    tpu.barrier barrier_id(%barrier3A_40)
    %add3A_41 = arith.constant 0 : i32
    %add3A_42 = arith.addi %arg1, %add3A_41 : i32
    %mul3A_43 = arith.constant 2 : i32
    %mul3A_44 = arith.muli %mul3A_43, %add3A_42 : i32
    %add3A_45 = arith.addi %mul3A_44, %arg0 : i32
    %add3A_46 = arith.constant 0 : i32
    %add3A_47 = arith.addi %arg1, %add3A_46 : i32
    %mul3A_48 = arith.constant 2 : i32
    %mul3A_49 = arith.muli %mul3A_48, %add3A_47 : i32
    %add3A_50 = arith.addi %mul3A_49, %arg0 : i32
    %lt3A_51 = arith.constant 1250 : i32
    %lt3A_52 = arith.cmpi slt, %add3A_50, %lt3A_51 : i32
    %convert_element_type3A_53 = arith.extui %lt3A_52 : i1 to i32
    %cond3A_54 = arith.constant 0 : i32
    %cond3A_55 = arith.cmpi ne, %convert_element_type3A_53, %cond3A_54 : i32
    scf.if %cond3A_55 {
      %mul3A_84 = arith.constant 128 : i32
      %mul3A_85 = arith.muli %add3A_45, %mul3A_84 : i32
      %dma_start3A = arith.constant 0 : i32
      %dma_start3A_86 = tpu.memref_slice %arg3[%mul3A_85, %dma_start3A] : memref<160000x128xf32, #tpu.memory_space<hbm>> -> memref<128x128xf32, #tpu.memory_space<hbm>>
      %dma_start3A_87 = arith.constant 0 : i32
      %dma_start3A_88 = tpu.memref_slice %arg3[%mul3A_85, %dma_start3A_87] : memref<160000x128xf32, #tpu.memory_space<hbm>> -> memref<128x128xf32, #tpu.memory_space<hbm>>
      tpu.enqueue_dma source(%dma_start3A_88 : memref<128x128xf32, #tpu.memory_space<hbm>>) target(%arg8 : memref<128x128xf32, #tpu.memory_space<vmem>>) target_semaphore(%arg12 : memref<!tpu.dma_semaphore, #tpu.memory_space<semaphore_mem>>)
      %dma_start3A_89 = arith.constant 0 : i32
      %dma_start3A_90 = arith.constant 0 : i32
      %dma_start3A_91 = tpu.memref_slice %arg10[%dma_start3A_89, %dma_start3A_90] : memref<2x128xi32, #tpu.memory_space<vmem>> -> memref<1x128xi32, #tpu.memory_space<vmem>>
      %dma_start3A_92 = tpu.memref_squeeze %dma_start3A_91 : memref<1x128xi32, #tpu.memory_space<vmem>> -> memref<128xi32, #tpu.memory_space<vmem>>
      %dma_start3A_93 = arith.constant 0 : i32
      %dma_start3A_94 = tpu.memref_slice %arg4[%add3A_45, %dma_start3A_93] : memref<1250x128xi32, #tpu.memory_space<hbm>> -> memref<1x128xi32, #tpu.memory_space<hbm>>
      %dma_start3A_95 = tpu.memref_squeeze %dma_start3A_94 : memref<1x128xi32, #tpu.memory_space<hbm>> -> memref<128xi32, #tpu.memory_space<hbm>>
      %dma_start3A_96 = arith.constant 0 : i32
      %dma_start3A_97 = tpu.memref_slice %arg10[%dma_start3A_89, %dma_start3A_96] : memref<2x128xi32, #tpu.memory_space<vmem>> -> memref<1x128xi32, #tpu.memory_space<vmem>>
      %dma_start3A_98 = tpu.memref_squeeze %dma_start3A_97 : memref<1x128xi32, #tpu.memory_space<vmem>> -> memref<128xi32, #tpu.memory_space<vmem>>
      %dma_start3A_99 = arith.constant 0 : i32
      %dma_start3A_100 = tpu.memref_slice %arg4[%add3A_45, %dma_start3A_99] : memref<1250x128xi32, #tpu.memory_space<hbm>> -> memref<1x128xi32, #tpu.memory_space<hbm>>
      %dma_start3A_101 = tpu.memref_squeeze %dma_start3A_100 : memref<1x128xi32, #tpu.memory_space<hbm>> -> memref<128xi32, #tpu.memory_space<hbm>>
      tpu.enqueue_dma source(%dma_start3A_101 : memref<128xi32, #tpu.memory_space<hbm>>) target(%dma_start3A_98 : memref<128xi32, #tpu.memory_space<vmem>>) target_semaphore(%arg12 : memref<!tpu.dma_semaphore, #tpu.memory_space<semaphore_mem>>)
    } else {
    }
    %add3A_56 = arith.constant 16 : i32
    %add3A_57 = arith.addi %arg1, %add3A_56 : i32
    %mul3A_58 = arith.constant 2 : i32
    %mul3A_59 = arith.muli %mul3A_58, %add3A_57 : i32
    %add3A_60 = arith.addi %mul3A_59, %arg0 : i32
    %add3A_61 = arith.constant 16 : i32
    %add3A_62 = arith.addi %arg1, %add3A_61 : i32
    %mul3A_63 = arith.constant 2 : i32
    %mul3A_64 = arith.muli %mul3A_63, %add3A_62 : i32
    %add3A_65 = arith.addi %mul3A_64, %arg0 : i32
    %lt3A_66 = arith.constant 1250 : i32
    %lt3A_67 = arith.cmpi slt, %add3A_65, %lt3A_66 : i32
    %convert_element_type3A_68 = arith.extui %lt3A_67 : i1 to i32
    %cond3A_69 = arith.constant 0 : i32
    %cond3A_70 = arith.cmpi ne, %convert_element_type3A_68, %cond3A_69 : i32
    scf.if %cond3A_70 {
      %mul3A_84 = arith.constant 128 : i32
      %mul3A_85 = arith.muli %add3A_60, %mul3A_84 : i32
      %dma_start3A = arith.constant 0 : i32
      %dma_start3A_86 = tpu.memref_slice %arg3[%mul3A_85, %dma_start3A] : memref<160000x128xf32, #tpu.memory_space<hbm>> -> memref<128x128xf32, #tpu.memory_space<hbm>>
      %dma_start3A_87 = arith.constant 0 : i32
      %dma_start3A_88 = tpu.memref_slice %arg3[%mul3A_85, %dma_start3A_87] : memref<160000x128xf32, #tpu.memory_space<hbm>> -> memref<128x128xf32, #tpu.memory_space<hbm>>
      tpu.enqueue_dma source(%dma_start3A_88 : memref<128x128xf32, #tpu.memory_space<hbm>>) target(%arg9 : memref<128x128xf32, #tpu.memory_space<vmem>>) target_semaphore(%arg13 : memref<!tpu.dma_semaphore, #tpu.memory_space<semaphore_mem>>)
      %dma_start3A_89 = arith.constant 0 : i32
      %dma_start3A_90 = arith.constant 0 : i32
      %dma_start3A_91 = tpu.memref_slice %arg11[%dma_start3A_89, %dma_start3A_90] : memref<2x128xi32, #tpu.memory_space<vmem>> -> memref<1x128xi32, #tpu.memory_space<vmem>>
      %dma_start3A_92 = tpu.memref_squeeze %dma_start3A_91 : memref<1x128xi32, #tpu.memory_space<vmem>> -> memref<128xi32, #tpu.memory_space<vmem>>
      %dma_start3A_93 = arith.constant 0 : i32
      %dma_start3A_94 = tpu.memref_slice %arg4[%add3A_60, %dma_start3A_93] : memref<1250x128xi32, #tpu.memory_space<hbm>> -> memref<1x128xi32, #tpu.memory_space<hbm>>
      %dma_start3A_95 = tpu.memref_squeeze %dma_start3A_94 : memref<1x128xi32, #tpu.memory_space<hbm>> -> memref<128xi32, #tpu.memory_space<hbm>>
      %dma_start3A_96 = arith.constant 0 : i32
      %dma_start3A_97 = tpu.memref_slice %arg11[%dma_start3A_89, %dma_start3A_96] : memref<2x128xi32, #tpu.memory_space<vmem>> -> memref<1x128xi32, #tpu.memory_space<vmem>>
      %dma_start3A_98 = tpu.memref_squeeze %dma_start3A_97 : memref<1x128xi32, #tpu.memory_space<vmem>> -> memref<128xi32, #tpu.memory_space<vmem>>
      %dma_start3A_99 = arith.constant 0 : i32
      %dma_start3A_100 = tpu.memref_slice %arg4[%add3A_60, %dma_start3A_99] : memref<1250x128xi32, #tpu.memory_space<hbm>> -> memref<1x128xi32, #tpu.memory_space<hbm>>
      %dma_start3A_101 = tpu.memref_squeeze %dma_start3A_100 : memref<1x128xi32, #tpu.memory_space<hbm>> -> memref<128xi32, #tpu.memory_space<hbm>>
      tpu.enqueue_dma source(%dma_start3A_101 : memref<128xi32, #tpu.memory_space<hbm>>) target(%dma_start3A_98 : memref<128xi32, #tpu.memory_space<vmem>>) target_semaphore(%arg13 : memref<!tpu.dma_semaphore, #tpu.memory_space<semaphore_mem>>)
    } else {
    }
    %scan3A_71 = arith.constant 0 : i32
    %scan3A_72 = arith.constant 0 : i32
    %scan3A_73 = arith.constant 20 : i32
    %scan3A_74 = arith.addi %scan3A_72, %scan3A_73 : i32
    %scan3A_75 = arith.constant 1 : i32
    scf.for %scan3A_84 = %scan3A_72 to %scan3A_74 step %scan3A_75  : i32 {
      %mul3A_85 = arith.constant 2 : i32
      %mul3A_86 = arith.muli %mul3A_85, %scan3A_84 : i32
      %mul3A_87 = arith.constant 16 : i32
      %mul3A_88 = arith.muli %mul3A_87, %mul3A_86 : i32
      %add3A_89 = arith.addi %arg1, %mul3A_88 : i32
      %mul3A_90 = arith.constant 2 : i32
      %mul3A_91 = arith.muli %mul3A_90, %add3A_89 : i32
      %add3A_92 = arith.addi %mul3A_91, %arg0 : i32
      %lt3A_93 = arith.constant 1250 : i32
      %lt3A_94 = arith.cmpi slt, %add3A_92, %lt3A_93 : i32
      %convert_element_type3A_95 = arith.extui %lt3A_94 : i1 to i32
      %cond3A_96 = arith.constant 0 : i32
      %cond3A_97 = arith.cmpi ne, %convert_element_type3A_95, %cond3A_96 : i32
      scf.if %cond3A_97 {
        %dma_wait3A = arith.constant 0 : i32
        %dma_wait3A_149 = arith.constant 0 : i32
        %dma_wait3A_150 = tpu.memref_slice %arg3[%dma_wait3A, %dma_wait3A_149] : memref<160000x128xf32, #tpu.memory_space<hbm>> -> memref<128x128xf32, #tpu.memory_space<hbm>>
        %dma_wait3A_151 = arith.constant 0 : i32
        %dma_wait3A_152 = arith.constant 0 : i32
        %dma_wait3A_153 = tpu.memref_slice %arg3[%dma_wait3A_151, %dma_wait3A_152] : memref<160000x128xf32, #tpu.memory_space<hbm>> -> memref<128x128xf32, #tpu.memory_space<hbm>>
        tpu.wait_dma2 semaphore(%arg12 : memref<!tpu.dma_semaphore, #tpu.memory_space<semaphore_mem>>) src(%dma_wait3A_153 : memref<128x128xf32, #tpu.memory_space<hbm>>) dst(%arg8 : memref<128x128xf32, #tpu.memory_space<vmem>>)
        %dma_wait3A_154 = arith.constant 0 : i32
        %dma_wait3A_155 = arith.constant 0 : i32
        %dma_wait3A_156 = arith.constant 0 : i32
        %dma_wait3A_157 = tpu.memref_slice %arg10[%dma_wait3A_155, %dma_wait3A_156] : memref<2x128xi32, #tpu.memory_space<vmem>> -> memref<1x128xi32, #tpu.memory_space<vmem>>
        %dma_wait3A_158 = tpu.memref_squeeze %dma_wait3A_157 : memref<1x128xi32, #tpu.memory_space<vmem>> -> memref<128xi32, #tpu.memory_space<vmem>>
        %dma_wait3A_159 = arith.constant 0 : i32
        %dma_wait3A_160 = tpu.memref_slice %arg4[%dma_wait3A_154, %dma_wait3A_159] : memref<1250x128xi32, #tpu.memory_space<hbm>> -> memref<1x128xi32, #tpu.memory_space<hbm>>
        %dma_wait3A_161 = tpu.memref_squeeze %dma_wait3A_160 : memref<1x128xi32, #tpu.memory_space<hbm>> -> memref<128xi32, #tpu.memory_space<hbm>>
        %dma_wait3A_162 = arith.constant 0 : i32
        %dma_wait3A_163 = tpu.memref_slice %arg10[%dma_wait3A_155, %dma_wait3A_162] : memref<2x128xi32, #tpu.memory_space<vmem>> -> memref<1x128xi32, #tpu.memory_space<vmem>>
        %dma_wait3A_164 = tpu.memref_squeeze %dma_wait3A_163 : memref<1x128xi32, #tpu.memory_space<vmem>> -> memref<128xi32, #tpu.memory_space<vmem>>
        %dma_wait3A_165 = arith.constant 0 : i32
        %dma_wait3A_166 = tpu.memref_slice %arg4[%dma_wait3A_154, %dma_wait3A_165] : memref<1250x128xi32, #tpu.memory_space<hbm>> -> memref<1x128xi32, #tpu.memory_space<hbm>>
        %dma_wait3A_167 = tpu.memref_squeeze %dma_wait3A_166 : memref<1x128xi32, #tpu.memory_space<hbm>> -> memref<128xi32, #tpu.memory_space<hbm>>
        tpu.wait_dma2 semaphore(%arg12 : memref<!tpu.dma_semaphore, #tpu.memory_space<semaphore_mem>>) src(%dma_wait3A_167 : memref<128xi32, #tpu.memory_space<hbm>>) dst(%dma_wait3A_164 : memref<128xi32, #tpu.memory_space<vmem>>)
        %run_scoped3A = arith.constant 0 : i32
        "tpu.region"() ({
          %run_scoped3A_168 = tpu.sem_alloc : memref<!tpu.dma_semaphore, #tpu.memory_space<semaphore_mem>>
          %dma_start3A = arith.constant 0 : i32
          %dma_start3A_169 = tpu.memref_slice %arg10[%run_scoped3A, %dma_start3A] : memref<2x128xi32, #tpu.memory_space<vmem>> -> memref<1x128xi32, #tpu.memory_space<vmem>>
          %dma_start3A_170 = tpu.memref_squeeze %dma_start3A_169 : memref<1x128xi32, #tpu.memory_space<vmem>> -> memref<128xi32, #tpu.memory_space<vmem>>
          %dma_start3A_171 = arith.constant 0 : i32
          %dma_start3A_172 = arith.constant 0 : i32
          %dma_start3A_173 = tpu.memref_slice %arg14[%dma_start3A_171, %dma_start3A_172] : memref<10240x128xf32, #tpu.memory_space<vmem_shared>> -> memref<10240x128xf32, #tpu.memory_space<vmem_shared>>
          tpu.enqueue_indirect_dma source(%arg8 : memref<128x128xf32, #tpu.memory_space<vmem>>) target(%dma_start3A_173 : memref<10240x128xf32, #tpu.memory_space<vmem_shared>>) offsets(%dma_start3A_170 : memref<128xi32, #tpu.memory_space<vmem>>) semaphore(%run_scoped3A_168 : memref<!tpu.dma_semaphore, #tpu.memory_space<semaphore_mem>>) {add = true}
          %dma_wait3A_174 = arith.constant 0 : i32
          %dma_wait3A_175 = tpu.memref_slice %arg10[%run_scoped3A, %dma_wait3A_174] : memref<2x128xi32, #tpu.memory_space<vmem>> -> memref<1x128xi32, #tpu.memory_space<vmem>>
          %dma_wait3A_176 = tpu.memref_squeeze %dma_wait3A_175 : memref<1x128xi32, #tpu.memory_space<vmem>> -> memref<128xi32, #tpu.memory_space<vmem>>
          %dma_wait3A_177 = arith.constant 0 : i32
          %dma_wait3A_178 = arith.constant 0 : i32
          %dma_wait3A_179 = tpu.memref_slice %arg14[%dma_wait3A_177, %dma_wait3A_178] : memref<10240x128xf32, #tpu.memory_space<vmem_shared>> -> memref<10240x128xf32, #tpu.memory_space<vmem_shared>>
          tpu.wait_indirect_dma semaphore(%run_scoped3A_168 : memref<!tpu.dma_semaphore, #tpu.memory_space<semaphore_mem>>) src(%arg8 : memref<128x128xf32, #tpu.memory_space<vmem>>) dst(%dma_wait3A_179 : memref<10240x128xf32, #tpu.memory_space<vmem_shared>>)
          tpu.yield
        }) : () -> ()
      } else {
      }
      %add3A_98 = arith.constant 2 : i32
      %add3A_99 = arith.addi %mul3A_86, %add3A_98 : i32
      %mul3A_100 = arith.constant 16 : i32
      %mul3A_101 = arith.muli %mul3A_100, %add3A_99 : i32
      %add3A_102 = arith.addi %arg1, %mul3A_101 : i32
      %mul3A_103 = arith.constant 2 : i32
      %mul3A_104 = arith.muli %mul3A_103, %add3A_102 : i32
      %add3A_105 = arith.addi %mul3A_104, %arg0 : i32
      %mul3A_106 = arith.constant 16 : i32
      %mul3A_107 = arith.muli %mul3A_106, %add3A_99 : i32
      %add3A_108 = arith.addi %arg1, %mul3A_107 : i32
      %mul3A_109 = arith.constant 2 : i32
      %mul3A_110 = arith.muli %mul3A_109, %add3A_108 : i32
      %add3A_111 = arith.addi %mul3A_110, %arg0 : i32
      %lt3A_112 = arith.constant 1250 : i32
      %lt3A_113 = arith.cmpi slt, %add3A_111, %lt3A_112 : i32
      %convert_element_type3A_114 = arith.extui %lt3A_113 : i1 to i32
      %cond3A_115 = arith.constant 0 : i32
      %cond3A_116 = arith.cmpi ne, %convert_element_type3A_114, %cond3A_115 : i32
      scf.if %cond3A_116 {
        %mul3A_149 = arith.constant 128 : i32
        %mul3A_150 = arith.muli %add3A_105, %mul3A_149 : i32
        %dma_start3A = arith.constant 0 : i32
        %dma_start3A_151 = tpu.memref_slice %arg3[%mul3A_150, %dma_start3A] : memref<160000x128xf32, #tpu.memory_space<hbm>> -> memref<128x128xf32, #tpu.memory_space<hbm>>
        %dma_start3A_152 = arith.constant 0 : i32
        %dma_start3A_153 = tpu.memref_slice %arg3[%mul3A_150, %dma_start3A_152] : memref<160000x128xf32, #tpu.memory_space<hbm>> -> memref<128x128xf32, #tpu.memory_space<hbm>>
        tpu.enqueue_dma source(%dma_start3A_153 : memref<128x128xf32, #tpu.memory_space<hbm>>) target(%arg8 : memref<128x128xf32, #tpu.memory_space<vmem>>) target_semaphore(%arg12 : memref<!tpu.dma_semaphore, #tpu.memory_space<semaphore_mem>>)
        %dma_start3A_154 = arith.constant 0 : i32
        %dma_start3A_155 = arith.constant 0 : i32
        %dma_start3A_156 = tpu.memref_slice %arg10[%dma_start3A_154, %dma_start3A_155] : memref<2x128xi32, #tpu.memory_space<vmem>> -> memref<1x128xi32, #tpu.memory_space<vmem>>
        %dma_start3A_157 = tpu.memref_squeeze %dma_start3A_156 : memref<1x128xi32, #tpu.memory_space<vmem>> -> memref<128xi32, #tpu.memory_space<vmem>>
        %dma_start3A_158 = arith.constant 0 : i32
        %dma_start3A_159 = tpu.memref_slice %arg4[%add3A_105, %dma_start3A_158] : memref<1250x128xi32, #tpu.memory_space<hbm>> -> memref<1x128xi32, #tpu.memory_space<hbm>>
        %dma_start3A_160 = tpu.memref_squeeze %dma_start3A_159 : memref<1x128xi32, #tpu.memory_space<hbm>> -> memref<128xi32, #tpu.memory_space<hbm>>
        %dma_start3A_161 = arith.constant 0 : i32
        %dma_start3A_162 = tpu.memref_slice %arg10[%dma_start3A_154, %dma_start3A_161] : memref<2x128xi32, #tpu.memory_space<vmem>> -> memref<1x128xi32, #tpu.memory_space<vmem>>
        %dma_start3A_163 = tpu.memref_squeeze %dma_start3A_162 : memref<1x128xi32, #tpu.memory_space<vmem>> -> memref<128xi32, #tpu.memory_space<vmem>>
        %dma_start3A_164 = arith.constant 0 : i32
        %dma_start3A_165 = tpu.memref_slice %arg4[%add3A_105, %dma_start3A_164] : memref<1250x128xi32, #tpu.memory_space<hbm>> -> memref<1x128xi32, #tpu.memory_space<hbm>>
        %dma_start3A_166 = tpu.memref_squeeze %dma_start3A_165 : memref<1x128xi32, #tpu.memory_space<hbm>> -> memref<128xi32, #tpu.memory_space<hbm>>
        tpu.enqueue_dma source(%dma_start3A_166 : memref<128xi32, #tpu.memory_space<hbm>>) target(%dma_start3A_163 : memref<128xi32, #tpu.memory_space<vmem>>) target_semaphore(%arg12 : memref<!tpu.dma_semaphore, #tpu.memory_space<semaphore_mem>>)
      } else {
      }
      %add3A_117 = arith.constant 1 : i32
      %add3A_118 = arith.addi %mul3A_86, %add3A_117 : i32
      %mul3A_119 = arith.constant 16 : i32
      %mul3A_120 = arith.muli %mul3A_119, %add3A_118 : i32
      %add3A_121 = arith.addi %arg1, %mul3A_120 : i32
      %mul3A_122 = arith.constant 2 : i32
      %mul3A_123 = arith.muli %mul3A_122, %add3A_121 : i32
      %add3A_124 = arith.addi %mul3A_123, %arg0 : i32
      %lt3A_125 = arith.constant 1250 : i32
      %lt3A_126 = arith.cmpi slt, %add3A_124, %lt3A_125 : i32
      %convert_element_type3A_127 = arith.extui %lt3A_126 : i1 to i32
      %cond3A_128 = arith.constant 0 : i32
      %cond3A_129 = arith.cmpi ne, %convert_element_type3A_127, %cond3A_128 : i32
      scf.if %cond3A_129 {
        %dma_wait3A = arith.constant 0 : i32
        %dma_wait3A_149 = arith.constant 0 : i32
        %dma_wait3A_150 = tpu.memref_slice %arg3[%dma_wait3A, %dma_wait3A_149] : memref<160000x128xf32, #tpu.memory_space<hbm>> -> memref<128x128xf32, #tpu.memory_space<hbm>>
        %dma_wait3A_151 = arith.constant 0 : i32
        %dma_wait3A_152 = arith.constant 0 : i32
        %dma_wait3A_153 = tpu.memref_slice %arg3[%dma_wait3A_151, %dma_wait3A_152] : memref<160000x128xf32, #tpu.memory_space<hbm>> -> memref<128x128xf32, #tpu.memory_space<hbm>>
        tpu.wait_dma2 semaphore(%arg13 : memref<!tpu.dma_semaphore, #tpu.memory_space<semaphore_mem>>) src(%dma_wait3A_153 : memref<128x128xf32, #tpu.memory_space<hbm>>) dst(%arg9 : memref<128x128xf32, #tpu.memory_space<vmem>>)
        %dma_wait3A_154 = arith.constant 0 : i32
        %dma_wait3A_155 = arith.constant 0 : i32
        %dma_wait3A_156 = arith.constant 0 : i32
        %dma_wait3A_157 = tpu.memref_slice %arg11[%dma_wait3A_155, %dma_wait3A_156] : memref<2x128xi32, #tpu.memory_space<vmem>> -> memref<1x128xi32, #tpu.memory_space<vmem>>
        %dma_wait3A_158 = tpu.memref_squeeze %dma_wait3A_157 : memref<1x128xi32, #tpu.memory_space<vmem>> -> memref<128xi32, #tpu.memory_space<vmem>>
        %dma_wait3A_159 = arith.constant 0 : i32
        %dma_wait3A_160 = tpu.memref_slice %arg4[%dma_wait3A_154, %dma_wait3A_159] : memref<1250x128xi32, #tpu.memory_space<hbm>> -> memref<1x128xi32, #tpu.memory_space<hbm>>
        %dma_wait3A_161 = tpu.memref_squeeze %dma_wait3A_160 : memref<1x128xi32, #tpu.memory_space<hbm>> -> memref<128xi32, #tpu.memory_space<hbm>>
        %dma_wait3A_162 = arith.constant 0 : i32
        %dma_wait3A_163 = tpu.memref_slice %arg11[%dma_wait3A_155, %dma_wait3A_162] : memref<2x128xi32, #tpu.memory_space<vmem>> -> memref<1x128xi32, #tpu.memory_space<vmem>>
        %dma_wait3A_164 = tpu.memref_squeeze %dma_wait3A_163 : memref<1x128xi32, #tpu.memory_space<vmem>> -> memref<128xi32, #tpu.memory_space<vmem>>
        %dma_wait3A_165 = arith.constant 0 : i32
        %dma_wait3A_166 = tpu.memref_slice %arg4[%dma_wait3A_154, %dma_wait3A_165] : memref<1250x128xi32, #tpu.memory_space<hbm>> -> memref<1x128xi32, #tpu.memory_space<hbm>>
        %dma_wait3A_167 = tpu.memref_squeeze %dma_wait3A_166 : memref<1x128xi32, #tpu.memory_space<hbm>> -> memref<128xi32, #tpu.memory_space<hbm>>
        tpu.wait_dma2 semaphore(%arg13 : memref<!tpu.dma_semaphore, #tpu.memory_space<semaphore_mem>>) src(%dma_wait3A_167 : memref<128xi32, #tpu.memory_space<hbm>>) dst(%dma_wait3A_164 : memref<128xi32, #tpu.memory_space<vmem>>)
        %run_scoped3A = arith.constant 0 : i32
        "tpu.region"() ({
          %run_scoped3A_168 = tpu.sem_alloc : memref<!tpu.dma_semaphore, #tpu.memory_space<semaphore_mem>>
          %dma_start3A = arith.constant 0 : i32
          %dma_start3A_169 = tpu.memref_slice %arg11[%run_scoped3A, %dma_start3A] : memref<2x128xi32, #tpu.memory_space<vmem>> -> memref<1x128xi32, #tpu.memory_space<vmem>>
          %dma_start3A_170 = tpu.memref_squeeze %dma_start3A_169 : memref<1x128xi32, #tpu.memory_space<vmem>> -> memref<128xi32, #tpu.memory_space<vmem>>
          %dma_start3A_171 = arith.constant 0 : i32
          %dma_start3A_172 = arith.constant 0 : i32
          %dma_start3A_173 = tpu.memref_slice %arg14[%dma_start3A_171, %dma_start3A_172] : memref<10240x128xf32, #tpu.memory_space<vmem_shared>> -> memref<10240x128xf32, #tpu.memory_space<vmem_shared>>
          tpu.enqueue_indirect_dma source(%arg9 : memref<128x128xf32, #tpu.memory_space<vmem>>) target(%dma_start3A_173 : memref<10240x128xf32, #tpu.memory_space<vmem_shared>>) offsets(%dma_start3A_170 : memref<128xi32, #tpu.memory_space<vmem>>) semaphore(%run_scoped3A_168 : memref<!tpu.dma_semaphore, #tpu.memory_space<semaphore_mem>>) {add = true}
          %dma_wait3A_174 = arith.constant 0 : i32
          %dma_wait3A_175 = tpu.memref_slice %arg11[%run_scoped3A, %dma_wait3A_174] : memref<2x128xi32, #tpu.memory_space<vmem>> -> memref<1x128xi32, #tpu.memory_space<vmem>>
          %dma_wait3A_176 = tpu.memref_squeeze %dma_wait3A_175 : memref<1x128xi32, #tpu.memory_space<vmem>> -> memref<128xi32, #tpu.memory_space<vmem>>
          %dma_wait3A_177 = arith.constant 0 : i32
          %dma_wait3A_178 = arith.constant 0 : i32
          %dma_wait3A_179 = tpu.memref_slice %arg14[%dma_wait3A_177, %dma_wait3A_178] : memref<10240x128xf32, #tpu.memory_space<vmem_shared>> -> memref<10240x128xf32, #tpu.memory_space<vmem_shared>>
          tpu.wait_indirect_dma semaphore(%run_scoped3A_168 : memref<!tpu.dma_semaphore, #tpu.memory_space<semaphore_mem>>) src(%arg9 : memref<128x128xf32, #tpu.memory_space<vmem>>) dst(%dma_wait3A_179 : memref<10240x128xf32, #tpu.memory_space<vmem_shared>>)
          tpu.yield
        }) : () -> ()
      } else {
      }
      %add3A_130 = arith.constant 3 : i32
      %add3A_131 = arith.addi %mul3A_86, %add3A_130 : i32
      %mul3A_132 = arith.constant 16 : i32
      %mul3A_133 = arith.muli %mul3A_132, %add3A_131 : i32
      %add3A_134 = arith.addi %arg1, %mul3A_133 : i32
      %mul3A_135 = arith.constant 2 : i32
      %mul3A_136 = arith.muli %mul3A_135, %add3A_134 : i32
      %add3A_137 = arith.addi %mul3A_136, %arg0 : i32
      %mul3A_138 = arith.constant 16 : i32
      %mul3A_139 = arith.muli %mul3A_138, %add3A_131 : i32
      %add3A_140 = arith.addi %arg1, %mul3A_139 : i32
      %mul3A_141 = arith.constant 2 : i32
      %mul3A_142 = arith.muli %mul3A_141, %add3A_140 : i32
      %add3A_143 = arith.addi %mul3A_142, %arg0 : i32
      %lt3A_144 = arith.constant 1250 : i32
      %lt3A_145 = arith.cmpi slt, %add3A_143, %lt3A_144 : i32
      %convert_element_type3A_146 = arith.extui %lt3A_145 : i1 to i32
      %cond3A_147 = arith.constant 0 : i32
      %cond3A_148 = arith.cmpi ne, %convert_element_type3A_146, %cond3A_147 : i32
      scf.if %cond3A_148 {
        %mul3A_149 = arith.constant 128 : i32
        %mul3A_150 = arith.muli %add3A_137, %mul3A_149 : i32
        %dma_start3A = arith.constant 0 : i32
        %dma_start3A_151 = tpu.memref_slice %arg3[%mul3A_150, %dma_start3A] : memref<160000x128xf32, #tpu.memory_space<hbm>> -> memref<128x128xf32, #tpu.memory_space<hbm>>
        %dma_start3A_152 = arith.constant 0 : i32
        %dma_start3A_153 = tpu.memref_slice %arg3[%mul3A_150, %dma_start3A_152] : memref<160000x128xf32, #tpu.memory_space<hbm>> -> memref<128x128xf32, #tpu.memory_space<hbm>>
        tpu.enqueue_dma source(%dma_start3A_153 : memref<128x128xf32, #tpu.memory_space<hbm>>) target(%arg9 : memref<128x128xf32, #tpu.memory_space<vmem>>) target_semaphore(%arg13 : memref<!tpu.dma_semaphore, #tpu.memory_space<semaphore_mem>>)
        %dma_start3A_154 = arith.constant 0 : i32
        %dma_start3A_155 = arith.constant 0 : i32
        %dma_start3A_156 = tpu.memref_slice %arg11[%dma_start3A_154, %dma_start3A_155] : memref<2x128xi32, #tpu.memory_space<vmem>> -> memref<1x128xi32, #tpu.memory_space<vmem>>
        %dma_start3A_157 = tpu.memref_squeeze %dma_start3A_156 : memref<1x128xi32, #tpu.memory_space<vmem>> -> memref<128xi32, #tpu.memory_space<vmem>>
        %dma_start3A_158 = arith.constant 0 : i32
        %dma_start3A_159 = tpu.memref_slice %arg4[%add3A_137, %dma_start3A_158] : memref<1250x128xi32, #tpu.memory_space<hbm>> -> memref<1x128xi32, #tpu.memory_space<hbm>>
        %dma_start3A_160 = tpu.memref_squeeze %dma_start3A_159 : memref<1x128xi32, #tpu.memory_space<hbm>> -> memref<128xi32, #tpu.memory_space<hbm>>
        %dma_start3A_161 = arith.constant 0 : i32
        %dma_start3A_162 = tpu.memref_slice %arg11[%dma_start3A_154, %dma_start3A_161] : memref<2x128xi32, #tpu.memory_space<vmem>> -> memref<1x128xi32, #tpu.memory_space<vmem>>
        %dma_start3A_163 = tpu.memref_squeeze %dma_start3A_162 : memref<1x128xi32, #tpu.memory_space<vmem>> -> memref<128xi32, #tpu.memory_space<vmem>>
        %dma_start3A_164 = arith.constant 0 : i32
        %dma_start3A_165 = tpu.memref_slice %arg4[%add3A_137, %dma_start3A_164] : memref<1250x128xi32, #tpu.memory_space<hbm>> -> memref<1x128xi32, #tpu.memory_space<hbm>>
        %dma_start3A_166 = tpu.memref_squeeze %dma_start3A_165 : memref<1x128xi32, #tpu.memory_space<hbm>> -> memref<128xi32, #tpu.memory_space<hbm>>
        tpu.enqueue_dma source(%dma_start3A_166 : memref<128xi32, #tpu.memory_space<hbm>>) target(%dma_start3A_163 : memref<128xi32, #tpu.memory_space<vmem>>) target_semaphore(%arg13 : memref<!tpu.dma_semaphore, #tpu.memory_space<semaphore_mem>>)
      } else {
      }
    }
    %scan3A_76 = arith.constant 20 : i32
    %barrier3A_77 = arith.constant 0 : index
    tpu.barrier barrier_id(%barrier3A_77)
    %scan3A_78 = arith.constant 0 : i32
    %scan3A_79 = arith.constant 0 : i32
    %scan3A_80 = arith.constant 5 : i32
    %scan3A_81 = arith.addi %scan3A_79, %scan3A_80 : i32
    %scan3A_82 = arith.constant 1 : i32
    scf.for %scan3A_84 = %scan3A_79 to %scan3A_81 step %scan3A_82  : i32 {
      %mul3A_85 = arith.constant 640 : i32
      %mul3A_86 = arith.muli %arg1, %mul3A_85 : i32
      %mul3A_87 = arith.constant 128 : i32
      %mul3A_88 = arith.muli %scan3A_84, %mul3A_87 : i32
      %add3A_89 = arith.addi %mul3A_86, %mul3A_88 : i32
      "tpu.region"() ({
        %run_scoped3A = tpu.sem_alloc : memref<!tpu.dma_semaphore, #tpu.memory_space<semaphore_mem>>
        %dma_start3A = arith.constant 0 : i32
        %dma_start3A_90 = tpu.memref_slice %arg14[%add3A_89, %dma_start3A] : memref<10240x128xf32, #tpu.memory_space<vmem_shared>> -> memref<128x128xf32, #tpu.memory_space<vmem_shared>>
        %dma_start3A_91 = arith.constant 0 : i32
        %dma_start3A_92 = tpu.memref_slice %arg14[%add3A_89, %dma_start3A_91] : memref<10240x128xf32, #tpu.memory_space<vmem_shared>> -> memref<128x128xf32, #tpu.memory_space<vmem_shared>>
        tpu.enqueue_dma source(%dma_start3A_92 : memref<128x128xf32, #tpu.memory_space<vmem_shared>>) target(%arg9 : memref<128x128xf32, #tpu.memory_space<vmem>>) target_semaphore(%run_scoped3A : memref<!tpu.dma_semaphore, #tpu.memory_space<semaphore_mem>>)
        %dma_wait3A = arith.constant 0 : i32
        %dma_wait3A_93 = tpu.memref_slice %arg14[%add3A_89, %dma_wait3A] : memref<10240x128xf32, #tpu.memory_space<vmem_shared>> -> memref<128x128xf32, #tpu.memory_space<vmem_shared>>
        %dma_wait3A_94 = arith.constant 0 : i32
        %dma_wait3A_95 = tpu.memref_slice %arg14[%add3A_89, %dma_wait3A_94] : memref<10240x128xf32, #tpu.memory_space<vmem_shared>> -> memref<128x128xf32, #tpu.memory_space<vmem_shared>>
        tpu.wait_dma2 semaphore(%run_scoped3A : memref<!tpu.dma_semaphore, #tpu.memory_space<semaphore_mem>>) src(%dma_wait3A_95 : memref<128x128xf32, #tpu.memory_space<vmem_shared>>) dst(%arg9 : memref<128x128xf32, #tpu.memory_space<vmem>>)
        tpu.yield
      }) : () -> ()
      "tpu.region"() ({
        %run_scoped3A = tpu.sem_alloc : memref<!tpu.dma_semaphore, #tpu.memory_space<semaphore_mem>>
        %dma_start3A = arith.constant 0 : i32
        %dma_start3A_90 = tpu.memref_slice %arg7[%arg0, %add3A_89, %dma_start3A] : memref<2x10240x128xf32, #tpu.memory_space<hbm>> -> memref<1x128x128xf32, #tpu.memory_space<hbm>>
        %dma_start3A_91 = tpu.memref_squeeze %dma_start3A_90 : memref<1x128x128xf32, #tpu.memory_space<hbm>> -> memref<128x128xf32, #tpu.memory_space<hbm>>
        %dma_start3A_92 = arith.constant 0 : i32
        %dma_start3A_93 = tpu.memref_slice %arg7[%arg0, %add3A_89, %dma_start3A_92] : memref<2x10240x128xf32, #tpu.memory_space<hbm>> -> memref<1x128x128xf32, #tpu.memory_space<hbm>>
        %dma_start3A_94 = tpu.memref_squeeze %dma_start3A_93 : memref<1x128x128xf32, #tpu.memory_space<hbm>> -> memref<128x128xf32, #tpu.memory_space<hbm>>
        tpu.enqueue_dma source(%arg9 : memref<128x128xf32, #tpu.memory_space<vmem>>) target(%dma_start3A_94 : memref<128x128xf32, #tpu.memory_space<hbm>>) target_semaphore(%run_scoped3A : memref<!tpu.dma_semaphore, #tpu.memory_space<semaphore_mem>>)
        %dma_wait3A = arith.constant 0 : i32
        %dma_wait3A_95 = tpu.memref_slice %arg7[%arg0, %add3A_89, %dma_wait3A] : memref<2x10240x128xf32, #tpu.memory_space<hbm>> -> memref<1x128x128xf32, #tpu.memory_space<hbm>>
        %dma_wait3A_96 = tpu.memref_squeeze %dma_wait3A_95 : memref<1x128x128xf32, #tpu.memory_space<hbm>> -> memref<128x128xf32, #tpu.memory_space<hbm>>
        %dma_wait3A_97 = arith.constant 0 : i32
        %dma_wait3A_98 = tpu.memref_slice %arg7[%arg0, %add3A_89, %dma_wait3A_97] : memref<2x10240x128xf32, #tpu.memory_space<hbm>> -> memref<1x128x128xf32, #tpu.memory_space<hbm>>
        %dma_wait3A_99 = tpu.memref_squeeze %dma_wait3A_98 : memref<1x128x128xf32, #tpu.memory_space<hbm>> -> memref<128x128xf32, #tpu.memory_space<hbm>>
        tpu.wait_dma2 semaphore(%run_scoped3A : memref<!tpu.dma_semaphore, #tpu.memory_space<semaphore_mem>>) src(%arg9 : memref<128x128xf32, #tpu.memory_space<vmem>>) dst(%dma_wait3A_99 : memref<128x128xf32, #tpu.memory_space<hbm>>)
        tpu.yield
      }) : () -> ()
    }
    %scan3A_83 = arith.constant 5 : i32
    return
  }
}

module attributes {stable_mosaic.version = 14 : i64} {
  func.func @_scale_body(%arg0: i32, %arg1: memref<640x256xf32, #tpu.memory_space<vmem>>, %arg2: memref<640x256xf32, #tpu.memory_space<vmem>>, %arg3: memref<1x256xf32, #tpu.memory_space<vmem>>, %arg4: memref<640x256xf32, #tpu.memory_space<vmem>>, %arg5: memref<640x128xf32, #tpu.memory_space<vmem>>) attributes {dimension_semantics = [#tpu.dimension_semantics<arbitrary>], iteration_bounds = array<i64: 250>, scalar_prefetch = 0 : i64, scratch_operands = 0 : i64, tpu.core_type = #tpu.core_type<tc>, window_params = [{transform_indices = @transform_0, window_bounds = array<i64: 640, 256>}, {transform_indices = @transform_1, window_bounds = array<i64: 640, 256>}, {pipeline_mode = #tpu.pipeline_mode<synchronous>, transform_indices = @transform_2, window_bounds = array<i64: 1, 256>}, {transform_indices = @transform_3, window_bounds = array<i64: 640, 256>}, {transform_indices = @transform_4, window_bounds = array<i64: 640, 128>}]} {
    %get3A = arith.constant 0 : index
    %get3A_0 = arith.constant 0 : index
    %get3A_1 = vector.load %arg1[%get3A, %get3A_0] : memref<640x256xf32, #tpu.memory_space<vmem>>, vector<640x256xf32>
    %get3A_2 = arith.constant 0 : index
    %get3A_3 = arith.constant 0 : index
    %get3A_4 = vector.load %arg3[%get3A_2, %get3A_3] : memref<1x256xf32, #tpu.memory_space<vmem>>, vector<1x256xf32>
    %dot_general3A = arith.constant dense<0.000000e+00> : vector<640x1xf32>
    %dot_general3A_5 = tpu.matmul %get3A_1, %get3A_4, %dot_general3A {dimension_numbers = #tpu.dot_dimension_numbers<[1], [1], [0], [0], [0, 0, 1, 0], [], []>, transpose_lhs_hint = false} : vector<640x256xf32>, vector<1x256xf32>, vector<640x1xf32> -> vector<640x1xf32>
    %exp3A = math.exp %dot_general3A_5 : vector<640x1xf32>
    %get3A_6 = arith.constant 0 : index
    %get3A_7 = arith.constant 0 : index
    %get3A_8 = vector.load %arg2[%get3A_6, %get3A_7] : memref<640x256xf32, #tpu.memory_space<vmem>>, vector<640x256xf32>
    %mul3A = vector.broadcast %exp3A : vector<640x1xf32> to vector<640x256xf32>
    %mul3A_9 = arith.mulf %get3A_8, %mul3A : vector<640x256xf32>
    %swap3A = arith.constant 0 : index
    %swap3A_10 = arith.constant 0 : index
    %swap3A_11 = vector.load %arg4[%swap3A, %swap3A_10] : memref<640x256xf32, #tpu.memory_space<vmem>>, vector<640x256xf32>
    tpu.vector_store %arg4[%swap3A, %swap3A_10], %mul3A_9 {strides = array<i32>} : memref<640x256xf32, #tpu.memory_space<vmem>>, vector<640x256xf32>,
    %iota3A = tpu.iota {dimensions = array<i32: 1>} : vector<640x128xi32>
    %broadcast_in_dim3A = vector.shape_cast %exp3A : vector<640x1xf32> to vector<640x1xf32>
    %broadcast_in_dim3A_12 = vector.broadcast %broadcast_in_dim3A : vector<640x1xf32> to vector<640x128xf32>
    %eq3A = arith.constant 0 : i32
    %eq3A_13 = vector.broadcast %eq3A : i32 to vector<640x128xi32>
    %eq3A_14 = arith.cmpi eq, %iota3A, %eq3A_13 : vector<640x128xi32>
    %eq3A_15 = arith.constant 1 : i32
    %eq3A_16 = vector.broadcast %eq3A_15 : i32 to vector<640x128xi32>
    %eq3A_17 = arith.cmpi eq, %iota3A, %eq3A_16 : vector<640x128xi32>
    %jit3A = arith.constant 1.000000e+00 : f32
    %jit3A_18 = arith.constant 0.000000e+00 : f32
    %broadcast_in_dim3A_19 = vector.broadcast %jit3A : f32 to vector<640x128xf32>
    %broadcast_in_dim3A_20 = vector.broadcast %jit3A_18 : f32 to vector<640x128xf32>
    %select_n3A = arith.select %eq3A_17, %broadcast_in_dim3A_19, %broadcast_in_dim3A_20 : vector<640x128xi1>, vector<640x128xf32>
    %select_n3A_21 = arith.select %eq3A_14, %broadcast_in_dim3A_12, %select_n3A : vector<640x128xi1>, vector<640x128xf32>
    %swap3A_22 = arith.constant 0 : index
    %swap3A_23 = arith.constant 0 : index
    %swap3A_24 = vector.load %arg5[%swap3A_22, %swap3A_23] : memref<640x128xf32, #tpu.memory_space<vmem>>, vector<640x128xf32>
    tpu.vector_store %arg5[%swap3A_22, %swap3A_23], %select_n3A_21 {strides = array<i32>} : memref<640x128xf32, #tpu.memory_space<vmem>>, vector<640x128xf32>,
    return
  }
  func.func @transform_0(%arg0: i32) -> (i32, i32) {
    %c0_i32 = arith.constant 0 : i32
    %c0_i32_0 = arith.constant 0 : i32
    return %arg0, %c0_i32 : i32, i32
  }
  func.func @transform_1(%arg0: i32) -> (i32, i32) {
    %c0_i32 = arith.constant 0 : i32
    %c0_i32_0 = arith.constant 0 : i32
    return %arg0, %c0_i32 : i32, i32
  }
  func.func @transform_2(%arg0: i32) -> (i32, i32) {
    %c0_i32 = arith.constant 0 : i32
    %c0_i32_0 = arith.constant 0 : i32
    %c0_i32_1 = arith.constant 0 : i32
    return %c0_i32, %c0_i32_0 : i32, i32
  }
  func.func @transform_3(%arg0: i32) -> (i32, i32) {
    %c0_i32 = arith.constant 0 : i32
    %c0_i32_0 = arith.constant 0 : i32
    return %arg0, %c0_i32 : i32, i32
  }
  func.func @transform_4(%arg0: i32) -> (i32, i32) {
    %c0_i32 = arith.constant 0 : i32
    %c0_i32_0 = arith.constant 0 : i32
    return %arg0, %c0_i32 : i32, i32
  }
}

module attributes {stable_mosaic.version = 14 : i64} {
  func.func @_head_body(%arg0: i32, %arg1: memref<400x256xf32, #tpu.memory_space<vmem>>, %arg2: memref<400x2xf32, #tpu.memory_space<vmem>>, %arg3: memref<400x2xf32, #tpu.memory_space<vmem>>, %arg4: memref<400x256xf32, #tpu.memory_space<vmem>>, %arg5: memref<256x256xf32, #tpu.memory_space<vmem>>, %arg6: memref<1x256xf32, #tpu.memory_space<vmem>>, %arg7: memref<512x256xf32, #tpu.memory_space<vmem>>, %arg8: memref<1x512xf32, #tpu.memory_space<vmem>>, %arg9: memref<256x512xf32, #tpu.memory_space<vmem>>, %arg10: memref<1x256xf32, #tpu.memory_space<vmem>>, %arg11: memref<512x256xf32, #tpu.memory_space<vmem>>, %arg12: memref<1x512xf32, #tpu.memory_space<vmem>>, %arg13: memref<256x512xf32, #tpu.memory_space<vmem>>, %arg14: memref<1x256xf32, #tpu.memory_space<vmem>>, %arg15: memref<400x256xf32, #tpu.memory_space<vmem>>, %arg16: memref<400x256xf32, #tpu.memory_space<vmem>>, %arg17: memref<400x256xf32, #tpu.memory_space<vmem>>) attributes {dimension_semantics = [#tpu.dimension_semantics<arbitrary>], iteration_bounds = array<i64: 25>, scalar_prefetch = 0 : i64, scratch_operands = 0 : i64, tpu.core_type = #tpu.core_type<tc>, window_params = [{transform_indices = @transform_0, window_bounds = array<i64: 400, 256>}, {transform_indices = @transform_1, window_bounds = array<i64: 400, 2>}, {transform_indices = @transform_2, window_bounds = array<i64: 400, 2>}, {transform_indices = @transform_3, window_bounds = array<i64: 400, 256>}, {pipeline_mode = #tpu.pipeline_mode<synchronous>, transform_indices = @transform_4, window_bounds = array<i64: 256, 256>}, {pipeline_mode = #tpu.pipeline_mode<synchronous>, transform_indices = @transform_5, window_bounds = array<i64: 1, 256>}, {pipeline_mode = #tpu.pipeline_mode<synchronous>, transform_indices = @transform_6, window_bounds = array<i64: 512, 256>}, {pipeline_mode = #tpu.pipeline_mode<synchronous>, transform_indices = @transform_7, window_bounds = array<i64: 1, 512>}, {pipeline_mode = #tpu.pipeline_mode<synchronous>, transform_indices = @transform_8, window_bounds = array<i64: 256, 512>}, {pipeline_mode = #tpu.pipeline_mode<synchronous>, transform_indices = @transform_9, window_bounds = array<i64: 1, 256>}, {pipeline_mode = #tpu.pipeline_mode<synchronous>, transform_indices = @transform_10, window_bounds = array<i64: 512, 256>}, {pipeline_mode = #tpu.pipeline_mode<synchronous>, transform_indices = @transform_11, window_bounds = array<i64: 1, 512>}, {pipeline_mode = #tpu.pipeline_mode<synchronous>, transform_indices = @transform_12, window_bounds = array<i64: 256, 512>}, {pipeline_mode = #tpu.pipeline_mode<synchronous>, transform_indices = @transform_13, window_bounds = array<i64: 1, 256>}, {transform_indices = @transform_14, window_bounds = array<i64: 400, 256>}, {transform_indices = @transform_15, window_bounds = array<i64: 400, 256>}, {transform_indices = @transform_16, window_bounds = array<i64: 400, 256>}]} {
    %get3A = arith.constant 0 : index
    %get3A_0 = arith.constant 0 : index
    %get3A_1 = vector.load %arg2[%get3A, %get3A_0] : memref<400x2xf32, #tpu.memory_space<vmem>>, vector<400x2xf32>
    %get3A_2 = arith.constant 0 : index
    %get3A_3 = arith.constant 0 : index
    %get3A_4 = vector.load %arg3[%get3A_2, %get3A_3] : memref<400x2xf32, #tpu.memory_space<vmem>>, vector<400x2xf32>
    %add3A = arith.addf %get3A_1, %get3A_4 : vector<400x2xf32>
    %slice3A = vector.extract_strided_slice %add3A {offsets = [0, 0], sizes = [400, 1], strides = [1, 1]} : vector<400x2xf32> to vector<400x1xf32>
    %slice3A_5 = vector.extract_strided_slice %add3A {offsets = [0, 1], sizes = [400, 1], strides = [1, 1]} : vector<400x2xf32> to vector<400x1xf32>
    %add3A_6 = arith.constant 1.000000e-16 : f32
    %add3A_7 = vector.broadcast %add3A_6 : f32 to vector<400x1xf32>
    %add3A_8 = arith.addf %slice3A, %add3A_7 : vector<400x1xf32>
    %get3A_9 = arith.constant 0 : index
    %get3A_10 = arith.constant 0 : index
    %get3A_11 = vector.load %arg1[%get3A_9, %get3A_10] : memref<400x256xf32, #tpu.memory_space<vmem>>, vector<400x256xf32>
    %div3A = vector.broadcast %add3A_8 : vector<400x1xf32> to vector<400x256xf32>
    %div3A_12 = arith.divf %get3A_11, %div3A : vector<400x256xf32>
    %get3A_13 = arith.constant 0 : index
    %get3A_14 = arith.constant 0 : index
    %get3A_15 = vector.load %arg5[%get3A_13, %get3A_14] : memref<256x256xf32, #tpu.memory_space<vmem>>, vector<256x256xf32>
    %dot_general3A = arith.constant dense<0.000000e+00> : vector<400x256xf32>
    %dot_general3A_16 = tpu.matmul %div3A_12, %get3A_15, %dot_general3A {dimension_numbers = #tpu.dot_dimension_numbers<[1], [1], [0], [0], [0, 0, 1, 0], [], []>, transpose_lhs_hint = false} : vector<400x256xf32>, vector<256x256xf32>, vector<400x256xf32> -> vector<400x256xf32>
    %div3A_17 = arith.divf %slice3A, %add3A_8 : vector<400x1xf32>
    %get3A_18 = arith.constant 0 : index
    %get3A_19 = arith.constant 0 : index
    %get3A_20 = vector.load %arg6[%get3A_18, %get3A_19] : memref<1x256xf32, #tpu.memory_space<vmem>>, vector<1x256xf32>
    %mul3A = vector.broadcast %div3A_17 : vector<400x1xf32> to vector<400x256xf32>
    %mul3A_21 = vector.broadcast %get3A_20 : vector<1x256xf32> to vector<400x256xf32>
    %mul3A_22 = arith.mulf %mul3A, %mul3A_21 : vector<400x256xf32>
    %add3A_23 = arith.addf %dot_general3A_16, %mul3A_22 : vector<400x256xf32>
    %max3A = arith.constant 1.000000e+00 : f32
    %max3A_24 = vector.broadcast %max3A : f32 to vector<400x1xf32>
    %max3A_25 = arith.maximumf %slice3A_5, %max3A_24 : vector<400x1xf32>
    %div3A_26 = vector.broadcast %max3A_25 : vector<400x1xf32> to vector<400x256xf32>
    %div3A_27 = arith.divf %add3A_23, %div3A_26 : vector<400x256xf32>
    %get3A_28 = arith.constant 0 : index
    %get3A_29 = arith.constant 0 : index
    %get3A_30 = vector.load %arg7[%get3A_28, %get3A_29] : memref<512x256xf32, #tpu.memory_space<vmem>>, vector<512x256xf32>
    %dot_general3A_31 = arith.constant dense<0.000000e+00> : vector<400x512xf32>
    %dot_general3A_32 = tpu.matmul %div3A_27, %get3A_30, %dot_general3A_31 {dimension_numbers = #tpu.dot_dimension_numbers<[1], [1], [0], [0], [0, 0, 1, 0], [], []>, transpose_lhs_hint = false} : vector<400x256xf32>, vector<512x256xf32>, vector<400x512xf32> -> vector<400x512xf32>
    %get3A_33 = arith.constant 0 : index
    %get3A_34 = arith.constant 0 : index
    %get3A_35 = vector.load %arg8[%get3A_33, %get3A_34] : memref<1x512xf32, #tpu.memory_space<vmem>>, vector<1x512xf32>
    %add3A_36 = vector.broadcast %get3A_35 : vector<1x512xf32> to vector<400x512xf32>
    %add3A_37 = arith.addf %dot_general3A_32, %add3A_36 : vector<400x512xf32>
    %max3A_38 = arith.constant 0.000000e+00 : f32
    %max3A_39 = vector.broadcast %max3A_38 : f32 to vector<400x512xf32>
    %max3A_40 = arith.maximumf %add3A_37, %max3A_39 : vector<400x512xf32>
    %get3A_41 = arith.constant 0 : index
    %get3A_42 = arith.constant 0 : index
    %get3A_43 = vector.load %arg9[%get3A_41, %get3A_42] : memref<256x512xf32, #tpu.memory_space<vmem>>, vector<256x512xf32>
    %dot_general3A_44 = arith.constant dense<0.000000e+00> : vector<400x256xf32>
    %dot_general3A_45 = tpu.matmul %max3A_40, %get3A_43, %dot_general3A_44 {dimension_numbers = #tpu.dot_dimension_numbers<[1], [1], [0], [0], [0, 0, 1, 0], [], []>, transpose_lhs_hint = false} : vector<400x512xf32>, vector<256x512xf32>, vector<400x256xf32> -> vector<400x256xf32>
    %get3A_46 = arith.constant 0 : index
    %get3A_47 = arith.constant 0 : index
    %get3A_48 = vector.load %arg10[%get3A_46, %get3A_47] : memref<1x256xf32, #tpu.memory_space<vmem>>, vector<1x256xf32>
    %add3A_49 = vector.broadcast %get3A_48 : vector<1x256xf32> to vector<400x256xf32>
    %add3A_50 = arith.addf %dot_general3A_45, %add3A_49 : vector<400x256xf32>
    %get3A_51 = arith.constant 0 : index
    %get3A_52 = arith.constant 0 : index
    %get3A_53 = vector.load %arg4[%get3A_51, %get3A_52] : memref<400x256xf32, #tpu.memory_space<vmem>>, vector<400x256xf32>
    %get3A_54 = arith.constant 0 : index
    %get3A_55 = arith.constant 0 : index
    %get3A_56 = vector.load %arg11[%get3A_54, %get3A_55] : memref<512x256xf32, #tpu.memory_space<vmem>>, vector<512x256xf32>
    %dot_general3A_57 = arith.constant dense<0.000000e+00> : vector<400x512xf32>
    %dot_general3A_58 = tpu.matmul %get3A_53, %get3A_56, %dot_general3A_57 {dimension_numbers = #tpu.dot_dimension_numbers<[1], [1], [0], [0], [0, 0, 1, 0], [], []>, transpose_lhs_hint = false} : vector<400x256xf32>, vector<512x256xf32>, vector<400x512xf32> -> vector<400x512xf32>
    %get3A_59 = arith.constant 0 : index
    %get3A_60 = arith.constant 0 : index
    %get3A_61 = vector.load %arg12[%get3A_59, %get3A_60] : memref<1x512xf32, #tpu.memory_space<vmem>>, vector<1x512xf32>
    %add3A_62 = vector.broadcast %get3A_61 : vector<1x512xf32> to vector<400x512xf32>
    %add3A_63 = arith.addf %dot_general3A_58, %add3A_62 : vector<400x512xf32>
    %max3A_64 = arith.constant 0.000000e+00 : f32
    %max3A_65 = vector.broadcast %max3A_64 : f32 to vector<400x512xf32>
    %max3A_66 = arith.maximumf %add3A_63, %max3A_65 : vector<400x512xf32>
    %get3A_67 = arith.constant 0 : index
    %get3A_68 = arith.constant 0 : index
    %get3A_69 = vector.load %arg13[%get3A_67, %get3A_68] : memref<256x512xf32, #tpu.memory_space<vmem>>, vector<256x512xf32>
    %dot_general3A_70 = arith.constant dense<0.000000e+00> : vector<400x256xf32>
    %dot_general3A_71 = tpu.matmul %max3A_66, %get3A_69, %dot_general3A_70 {dimension_numbers = #tpu.dot_dimension_numbers<[1], [1], [0], [0], [0, 0, 1, 0], [], []>, transpose_lhs_hint = false} : vector<400x512xf32>, vector<256x512xf32>, vector<400x256xf32> -> vector<400x256xf32>
    %get3A_72 = arith.constant 0 : index
    %get3A_73 = arith.constant 0 : index
    %get3A_74 = vector.load %arg14[%get3A_72, %get3A_73] : memref<1x256xf32, #tpu.memory_space<vmem>>, vector<1x256xf32>
    %add3A_75 = vector.broadcast %get3A_74 : vector<1x256xf32> to vector<400x256xf32>
    %add3A_76 = arith.addf %dot_general3A_71, %add3A_75 : vector<400x256xf32>
    %swap3A = arith.constant 0 : index
    %swap3A_77 = arith.constant 0 : index
    %swap3A_78 = vector.load %arg15[%swap3A, %swap3A_77] : memref<400x256xf32, #tpu.memory_space<vmem>>, vector<400x256xf32>
    tpu.vector_store %arg15[%swap3A, %swap3A_77], %add3A_76 {strides = array<i32>} : memref<400x256xf32, #tpu.memory_space<vmem>>, vector<400x256xf32>,
    %swap3A_79 = arith.constant 0 : index
    %swap3A_80 = arith.constant 0 : index
    %swap3A_81 = vector.load %arg16[%swap3A_79, %swap3A_80] : memref<400x256xf32, #tpu.memory_space<vmem>>, vector<400x256xf32>
    tpu.vector_store %arg16[%swap3A_79, %swap3A_80], %add3A_50 {strides = array<i32>} : memref<400x256xf32, #tpu.memory_space<vmem>>, vector<400x256xf32>,
    %add3A_82 = arith.addf %add3A_76, %add3A_50 : vector<400x256xf32>
    %mul3A_83 = arith.constant 5.000000e-01 : f32
    %mul3A_84 = vector.broadcast %mul3A_83 : f32 to vector<400x256xf32>
    %mul3A_85 = arith.mulf %add3A_82, %mul3A_84 : vector<400x256xf32>
    %swap3A_86 = arith.constant 0 : index
    %swap3A_87 = arith.constant 0 : index
    %swap3A_88 = vector.load %arg17[%swap3A_86, %swap3A_87] : memref<400x256xf32, #tpu.memory_space<vmem>>, vector<400x256xf32>
    tpu.vector_store %arg17[%swap3A_86, %swap3A_87], %mul3A_85 {strides = array<i32>} : memref<400x256xf32, #tpu.memory_space<vmem>>, vector<400x256xf32>,
    return
  }
  func.func @transform_0(%arg0: i32) -> (i32, i32) {
    %c0_i32 = arith.constant 0 : i32
    %c0_i32_0 = arith.constant 0 : i32
    return %arg0, %c0_i32 : i32, i32
  }
  func.func @transform_1(%arg0: i32) -> (i32, i32) {
    %c0_i32 = arith.constant 0 : i32
    %c0_i32_0 = arith.constant 0 : i32
    return %arg0, %c0_i32 : i32, i32
  }
  func.func @transform_2(%arg0: i32) -> (i32, i32) {
    %c0_i32 = arith.constant 0 : i32
    %c0_i32_0 = arith.constant 0 : i32
    return %arg0, %c0_i32 : i32, i32
  }
  func.func @transform_3(%arg0: i32) -> (i32, i32) {
    %c0_i32 = arith.constant 0 : i32
    %c0_i32_0 = arith.constant 0 : i32
    return %arg0, %c0_i32 : i32, i32
  }
  func.func @transform_4(%arg0: i32) -> (i32, i32) {
    %c0_i32 = arith.constant 0 : i32
    %c0_i32_0 = arith.constant 0 : i32
    %c0_i32_1 = arith.constant 0 : i32
    return %c0_i32, %c0_i32_0 : i32, i32
  }
  func.func @transform_5(%arg0: i32) -> (i32, i32) {
    %c0_i32 = arith.constant 0 : i32
    %c0_i32_0 = arith.constant 0 : i32
    %c0_i32_1 = arith.constant 0 : i32
    return %c0_i32, %c0_i32_0 : i32, i32
  }
  func.func @transform_6(%arg0: i32) -> (i32, i32) {
    %c0_i32 = arith.constant 0 : i32
    %c0_i32_0 = arith.constant 0 : i32
    %c0_i32_1 = arith.constant 0 : i32
    return %c0_i32, %c0_i32_0 : i32, i32
  }
  func.func @transform_7(%arg0: i32) -> (i32, i32) {
    %c0_i32 = arith.constant 0 : i32
    %c0_i32_0 = arith.constant 0 : i32
    %c0_i32_1 = arith.constant 0 : i32
    return %c0_i32, %c0_i32_0 : i32, i32
  }
  func.func @transform_8(%arg0: i32) -> (i32, i32) {
    %c0_i32 = arith.constant 0 : i32
    %c0_i32_0 = arith.constant 0 : i32
    %c0_i32_1 = arith.constant 0 : i32
    return %c0_i32, %c0_i32_0 : i32, i32
  }
  func.func @transform_9(%arg0: i32) -> (i32, i32) {
    %c0_i32 = arith.constant 0 : i32
    %c0_i32_0 = arith.constant 0 : i32
    %c0_i32_1 = arith.constant 0 : i32
    return %c0_i32, %c0_i32_0 : i32, i32
  }
  func.func @transform_10(%arg0: i32) -> (i32, i32) {
    %c0_i32 = arith.constant 0 : i32
    %c0_i32_0 = arith.constant 0 : i32
    %c0_i32_1 = arith.constant 0 : i32
    return %c0_i32, %c0_i32_0 : i32, i32
  }
  func.func @transform_11(%arg0: i32) -> (i32, i32) {
    %c0_i32 = arith.constant 0 : i32
    %c0_i32_0 = arith.constant 0 : i32
    %c0_i32_1 = arith.constant 0 : i32
    return %c0_i32, %c0_i32_0 : i32, i32
  }
  func.func @transform_12(%arg0: i32) -> (i32, i32) {
    %c0_i32 = arith.constant 0 : i32
    %c0_i32_0 = arith.constant 0 : i32
    %c0_i32_1 = arith.constant 0 : i32
    return %c0_i32, %c0_i32_0 : i32, i32
  }
  func.func @transform_13(%arg0: i32) -> (i32, i32) {
    %c0_i32 = arith.constant 0 : i32
    %c0_i32_0 = arith.constant 0 : i32
    %c0_i32_1 = arith.constant 0 : i32
    return %c0_i32, %c0_i32_0 : i32, i32
  }
  func.func @transform_14(%arg0: i32) -> (i32, i32) {
    %c0_i32 = arith.constant 0 : i32
    %c0_i32_0 = arith.constant 0 : i32
    return %arg0, %c0_i32 : i32, i32
  }
  func.func @transform_15(%arg0: i32) -> (i32, i32) {
    %c0_i32 = arith.constant 0 : i32
    %c0_i32_0 = arith.constant 0 : i32
    return %arg0, %c0_i32 : i32, i32
  }
  func.func @transform_16(%arg0: i32) -> (i32, i32) {
    %c0_i32 = arith.constant 0 : i32
    %c0_i32_0 = arith.constant 0 : i32
    return %arg0, %c0_i32 : i32, i32
  }
}

</mosaic_0001>

<sc_bundles>
// kernel: kernel.5.cloned.1.call-start
scs
__scs_entry_jumppad:
0x0: {  	(pc) =	sbr.rel $0x88, $3  }
0x1: {  	(tag) =	ssettag $0x0;
	lr =	simm.s32 $0x1  }
0x2: {  	[smem:$0x3F92] =	sst lr;
	_ =	strace $0xD0000000  }
0x3: {  	_ = 	snop  }
0x4: {  	_ = 	snop  }
0x5: {  	_ = 	snop  }
0x6: {  	_ = 	snop  }
0x7: {  	_ = 	snop  }
__scs_overlays_trampoline_lowered:
0x8: {  	[smem:$0x3FA1] =	sst s0  }
0x9: {  	[smem:$0x3FA2] =	sst s1  }
0xa: {  	[smem:$0x3FA3] =	sst s2  }
0xb: {  	[smem:$0x3FA4] =	sst s3  }
0xc: {  	[smem:$0x3FA5] =	sst s4  }
0xd: {  	[smem:$0x3FA6] =	sst s5  }
0xe: {  	[smem:$0x3FA7] =	sst s6  }
0xf: {  	[smem:$0x3FA8] =	sst s7  }
0x10: {  	[smem:$0x3FA9] =	sst s8  }
0x11: {  	[smem:$0x3FAA] =	sst s9;
	s0 =	simm.s32 @!p0 $0x0  }
0x12: {  	s1 =	sld [smem:$0x3F90];
	s0 =	simm.s32 @p0 $0x1  }
0x13: {  	[smem:$0x3FAB] =	sst s0;
	s0 =	simm.s32 @!p1 $0x0  }
0x14: {  	s2 =	sld [smem:$0x3F8F];
	s0 =	simm.s32 @p1 $0x1  }
0x15: {  	[smem:$0x3FAC] =	sst s0;
	s0 =	simm.s32 @!p2 $0x0  }
0x16: {  	s3 =	sld [smem:$0x3FDB];
	s0 =	simm.s32 @p2 $0x1  }
0x17: {  	s4 =	simm.s32 $0x1BF5;
	[smem:$0x3FAE] =	sst s0  }
0x18: {  	s0 =	sld [smem:$0x3F91];
	_ =	swait.ge [sflag:s4], $0x0  }
0x19: {  	s7 =	sld [smem:$0x3F92]  }
0x1a: {  	s8 =	sadd.s32 $0xFFFFE003, lr  }
0x1b: {  	s9 =	sadd.s32 $0xFFFFFEF7, lr;
	s5 =	simm.s32 $0xFFFFFFFF;
	p2 =	slt.u32 s8, $0xFFFFF086  }
0x1c: {  	p1 =	slt.u32 s9, $0xF7A;
	s5 =	simm.s32 @!p2 $0x0  }
0x1d: {  	s5 =	simm.s32 @p1 $0x1;
	p0 =	seq.s32 s7, s2  }
0x1e: {  	s7 =	smul.u32 @!p0 $0xF7A, s2;
	p2 =	seq.s32 @!p0 s5, $0x0  }
0x1f: {  	s9 =	smul.u32 $0xF7A, s1;
	s8 =	simm.s32 @!p0 $0x1BF5;
	p2 =	por !p2, p0  }
0x20: {  	[sflag:s8] =	ssyncset.s32 @!p0 $0xFFFFF086;
	s6 =	sadd.s32 @!p0 s3, s7;
	s7 =	simm.s32 @!p0 $0x108  }
0x21: {  	s3 =	sadd.s32 s3, s9;
	s6 =	sadd.s32 @!p0 $0x88, s6;
	s7 =	simm.s32 @p2 $0x1082  }
0x22: {  	[simem:s7], [sflag:s8] =	dma.local @!p0 [hbm:s6], $0xF7A  }
0x23: {  	s9 =	sor.u32 $0xD0000000, s2;
	s6 =	simm.s32 $0x108;
	_ =	swait.ge @!p0 [sflag:s8], $0x0  }
0x24: {  	s3 =	sadd.s32 $0x88, s3;
	s6 =	simm.s32 @!p1 $0x1082;
	[sflag:s4] =	ssyncset.s32 $0xFFFFF086  }
0x25: {  	[simem:s6], [sflag:s4] =	dma.local [hbm:s3], $0xF7A  }
0x26: {  	[smem:$0x3F92] =	sst s1;
	(tag) =	ssettag s2;
	_ =	strace s9  }
0x27: {  	s1 =	sld [smem:$0x3FA2]  }
0x28: {  	s2 =	sld [smem:$0x3FA3]  }
0x29: {  	s4 =	sld [smem:$0x3FA5]  }
0x2a: {  	p0 =	seq.s32 s5, $0x0;
	s5 =	sld [smem:$0x3FA6]  }
0x2b: {  	s6 =	sld [smem:$0x3FA7]  }
0x2c: {  	s7 =	sld [smem:$0x3FA8]  }
0x2d: {  	s3 =	simm.s32 $0x108;
	s8 =	sld [smem:$0x3FA9]  }
0x2e: {  	s3 =	simm.s32 @!p0 $0x1082;
	s9 =	sld [smem:$0x3FAA]  }
0x2f: {  	lr =	sadd.s32 s0, s3;
	s0 =	sld [smem:$0x3FA1]  }
0x30: {  	s3 =	sld [smem:$0x3FA4]  }
0x31: {  	[smem:$0x3FAD] =	sst s10  }
0x32: {  	s10 =	sld [smem:$0x3FAB];
	_ =	sdelay $0x3  }
0x33: {  	p0 =	seq.s32 s10, $0x1;
	s10 =	sld [smem:$0x3FAD];
	_ =	sdelay $0x3  }
0x34: {  	[smem:$0x3FAD] =	sst s10  }
0x35: {  	s10 =	sld [smem:$0x3FAC];
	_ =	sdelay $0x3  }
0x36: {  	p1 =	seq.s32 s10, $0x1;
	s10 =	sld [smem:$0x3FAD];
	_ =	sdelay $0x3  }
0x37: {  	[smem:$0x3FAD] =	sst s10  }
0x38: {  	s10 =	sld [smem:$0x3FAE]  }
0x39: {  	_ = 	snop;
	(pc) =	sbr.ind lr, $3  }
0x3a: {  	_ = 	snop  }
0x3b: {  	_ = 	snop  }
0x3c: {  	p2 =	seq.s32 s10, $0x1;
	s10 =	sld [smem:$0x3FAD]  }
0x3d: {  	_ =	shalt  }
0x3e: {  	_ =	shalt  }
0x3f: {  	_ =	shalt  }
0x40: {  	_ =	shalt  }
0x41: {  	_ =	shalt  }
0x42: {  	_ =	shalt  }
0x43: {  	_ =	shalt  }
0x44: {  	_ =	shalt  }
0x45: {  	_ =	shalt  }
0x46: {  	_ =	shalt  }
0x47: {  	_ =	shalt  }
0x48: {  	_ =	shalt  }
0x49: {  	_ =	shalt  }
0x4a: {  	_ =	shalt  }
0x4b: {  	_ =	shalt  }
0x4c: {  	_ =	shalt  }
0x4d: {  	_ =	shalt  }
0x4e: {  	_ =	shalt  }
0x4f: {  	_ =	shalt  }
0x50: {  	_ =	shalt  }
0x51: {  	_ =	shalt  }
0x52: {  	_ =	shalt  }
0x53: {  	_ =	shalt  }
0x54: {  	_ =	shalt  }
0x55: {  	_ =	shalt  }
0x56: {  	_ =	shalt  }
0x57: {  	_ =	shalt  }
0x58: {  	_ =	shalt  }
0x59: {  	_ =	shalt  }
0x5a: {  	_ =	shalt  }
0x5b: {  	_ =	shalt  }
0x5c: {  	_ =	shalt  }
0x5d: {  	_ =	shalt  }
0x5e: {  	_ =	shalt  }
0x5f: {  	_ =	shalt  }
0x60: {  	_ =	shalt  }
0x61: {  	_ =	shalt  }
0x62: {  	_ =	shalt  }
0x63: {  	_ =	shalt  }
0x64: {  	_ =	shalt  }
0x65: {  	_ =	shalt  }
0x66: {  	_ =	shalt  }
0x67: {  	_ =	shalt  }
0x68: {  	_ =	shalt  }
0x69: {  	_ =	shalt  }
0x6a: {  	_ =	shalt  }
0x6b: {  	_ =	shalt  }
0x6c: {  	_ =	shalt  }
0x6d: {  	_ =	shalt  }
0x6e: {  	_ =	shalt  }
0x6f: {  	_ =	shalt  }
0x70: {  	_ =	shalt  }
0x71: {  	_ =	shalt  }
0x72: {  	_ =	shalt  }
0x73: {  	_ =	shalt  }
0x74: {  	_ =	shalt  }
0x75: {  	_ =	shalt  }
0x76: {  	_ =	shalt  }
0x77: {  	_ =	shalt  }
0x78: {  	_ =	shalt  }
0x79: {  	_ =	shalt  }
0x7a: {  	_ =	shalt  }
0x7b: {  	_ =	shalt  }
0x7c: {  	_ =	shalt  }
0x7d: {  	_ =	shalt  }
0x7e: {  	_ =	shalt  }
0x7f: {  	_ =	shalt  }
0x80: {  	_ =	shalt  }
0x81: {  	_ =	shalt  }
0x82: {  	_ =	shalt  }
0x83: {  	_ =	shalt  }
0x84: {  	_ =	shalt  }
0x85: {  	_ =	shalt  }
0x86: {  	_ =	shalt  }
0x87: {  	_ =	shalt  }
.Lfunc_end0:
.L_simem_size_0:
called_computation_lowered:
.L_overlay_start_0:
0x88: {  	s2 =	sld [smem:$0x3FD9]  }
0x89: {  	s3 =	sld [smem:$0x3FFE];
	_ =	sdelay $0x1  }
0x8a: {  	s1 =	srdreg.scid  }
0x8b: {  	s0 =	sand.u32 $0x1, s1  }
0x8c: {  	s14 =	sshll.u32 s0, $0xA;
	s2 =	sadd.s32 s3, s2  }
0x8d: {  	s2 =	sadd.s32 s2, s14  }
0x8e: {  	[smem:$0x3FB9] =	sst s2  }
0x8f: {  	_ = 	snop  }
0x90: {  	s2 =	sld [smem:$0x3FD0];
	_ =	sdelay $0x2  }
0x91: {  	s4 =	simm.s32 $0xA;
	s5 =	simm.s32 $0x10;
	s15 =	sld [smem:$0x3FC6]  }
0x92: {  	[smem:s5], [sflag:s4] =	dma.local [hbm:s2], $0x1  }
0x93: {  	_ =	swait.eq [sflag:s4], $0x1  }
0x94: {  	[sflag:s4] =	ssyncset.done $0x0  }
0x95: {  	[sflag:s4] =	ssyncadd.s32 $0xFFFFFFFF  }
0x96: {  	s16 =	sld [smem:$0x12];
	(tm) =	ssettm $0x1  }
0x97: {  	s17 =	sld [smem:$0x3FFB];
	_ =	sdelay $0x3  }
0x98: {  	_ =	strace s17  }
0x99: {  	s4 =	sld [smem:$0x3FFC];
	_ =	sdelay $0x3  }
0x9a: {  	_ =	strace s4  }
0x9b: {  	s4 =	sld [smem:$0x3FFD];
	_ =	sdelay $0x3  }
0x9c: {  	_ =	strace s4  }
0x9d: {  	_ =	strace $0x8FFFFFFF  }
0x9e: {  	s18 =	sld [smem:$0x3FDB];
	_ =	sdelay $0x1  }
0x9f: {  	s19 =	simm.s32 $_scs_section_size  }
0xa0: {  	s6 =	simm.s32 $_size__tile_overlayer_lowered;
	s7 =	simm.s32 $_tile_overlayer_lowered  }
0xa1: {  	s22 =	simm.s32 $0x1BFF;
	s21 =	sshll.u32 s7, $0x1;
	s4 =	sadd.s32 s19, s18  }
0xa2: {  	s8 =	simm.s32 $0x0;
	s20 =	sshll.u32 s6, $0x1;
	s6 =	sadd.s32 s21, s4  }
0xa3: {  	[timem:s8], [sflag:s22] =	dma.local [hbm:s6], s20  }
0xa4: {  	_ =	swait.ge [sflag:s22], s20  }
0xa5: {  	s5 =	ssub.s32 $0x0, s20;
	[sflag:s22] =	ssyncset.done $0x0  }
0xa6: {  	[sflag:s22] =	ssyncadd.s32 s5;
	_ =	sdelay $0x1  }
0xa7: {  	s23 =	simm.s32 $0x1B8B  }
0xa8: {  	_ =	swait.ge [sflag:s23], $0x1  }
0xa9: {  	[sflag:s23] =	ssyncset.done $0x0  }
0xaa: {  	s25 =	simm.s32 $0x1B8E;
	s24 =	sld [smem:$0x3FFE];
	[sflag:s23] =	ssyncadd.s32 $0xFFFFFFFF  }
0xab: {  	s26 =	simm.s32 $execute0_lowered;
	[smem:$0x3FD2] =	sst s25  }
0xac: {  	s6 =	sshll.u32 s26, $0x1;
	_ =	strace $0x80000046;
	[dreg:$0x1] =	wrdreg $0xFFFFFFFF  }
0xad: {  	s28 =	simm.s32 $_size_execute0_lowered;
	s4 =	sadd.s32 s4, s6;
	[dreg:$0x0] =	wrdreg $0x0  }
0xae: {  	s6 =	sshll.u32 s28, $0x1;
	[dreg:$0x2] =	wrdreg s4  }
0xaf: {  	[dreg:$0x3] =	wrdreg s6  }
0xb0: {  	[dreg:$0x4] =	wrdreg $0xC0  }
0xb1: {  	_ =	task [dreg:s8], $0x5FFFF  }
0xb2: {  	[dreg:$0x1] =	wrdreg $0xFFFFFFFF  }
0xb3: {  	[dreg:$0x0] =	wrdreg $0x60  }
0xb4: {  	[dreg:$0x2] =	wrdreg s24  }
0xb5: {  	[dreg:$0x3] =	wrdreg s15  }
0xb6: {  	[dreg:$0x4] =	wrdreg s16  }
0xb7: {  	[dreg:$0x5] =	wrdreg $0x82000  }
0xb8: {  	[dreg:$0x6] =	wrdreg $0x9  }
0xb9: {  	_ =	task.clear_ibuf [dreg:s8], $0x7FFFF;
	_ =	strace $0x90000046  }
0xba: {  	s29 =	simm.s32 $0x9;
	_ =	strace $0x80000048  }
0xbb: {  	_ =	swait.ge [sflag:s29], $0x1  }
0xbc: {  	[sflag:s29] =	ssyncadd.s32 $0xFFFFFFFF  }
0xbd: {  	_ =	strace $0x90000048  }
0xbe: {  	_ =	sfence  }
0xbf: {  	s30 =	sld [smem:$0x0];
	_ =	sdelay $0x2  }
0xc0: {  	s31 =	sshll.u32 s1, $0xD;
	s1 =	sshrl.u32 s1, $0x2  }
0xc1: {  	s3 =	sand.u32 $0x4000, s31;
	s1 =	sadd.s32 s1, s30  }
0xc2: {  	s0 =	sor.u32 s3, s0;
	s1 =	sshll.u32 s1, $0x11  }
0xc3: {  	s0 =	sor.u32 s1, s0  }
0xc4: {  	s0 =	sadd.s32 $0x8F2B, s0  }
0xc5: {  	[sflag:s0] =	ssyncadd.remote.s32 $0x1  }
0xc6: {  	_ =	sfence.sel $0xFFFF  }
0xc7: {  	[dreg:$0x0] =	wrdreg $0xFFFFFFFF;
	(pc) =	sbr.abs _section_cstart, $3  }
0xc8: {  	[dreg:$0x1] =	wrdreg $0xFFFFFFFF  }
0xc9: {  	_ =	task.clear_ibuf [dreg:s8], $0x2FFFF;
	_ =	strace $0x9FFFFFFF  }
0xca: {  	(tm) =	ssettm $0x7FFFFFFF  }
0xcb: {  	_ =	shalt  }
tec
execute0_lowered:
.L_overlay_start_1:
0x0: {  	(tag) =	ssettag $0x1  }
0x1: {  	s12 =	rddreg [dreg:$0x0]  }
0x2: {  	s0 =	srdreg.scid;
	s4 =	rddreg [dreg:$0x1]  }
0x3: {  	s2 =	stileid.u32;
	s30 =	rddreg [dreg:$0x2]  }
0x4: {  	s29 =	simm.s32 $0x0;
	s8 =	sand.u32 $0x1, s0;
	s9 =	smul.u32 $0x280, s2  }
0x5: {  	s13 =	sadd.s32 $0x7A5400, s12;
	s10 =	sshll.u32 s2, $0x4;
	s6 =	smul.u32 $0x5000, s2  }
0x6: {  	s19 =	smul.u32 $0x14000, s2;
	p2 =	sgt.u32 s2, $0x1;
	p0 =	sne.s32 s2, $0x0  }
0x7: {  	s0 =	sshll.u32 s8, $0x7;
	s1 =	ssub.s32 $0x2, s8;
	s11 =	sand.u32 $0x70, s10  }
0x8: {  	s16 =	smul.u32 $0x140000, s8;
	s0 =	sadd.s32 s0, s12;
	s3 =	sshrl.u32 s1, $0x1  }
0x9: {  	s22 =	sadd.s32 $0x80, s9;
	s7 =	sadd.s32 $0x100, s9;
	s18 =	sadd.s32 $0x180, s9  }
0xa: {  	s25 =	sadd.s32 $0x200, s9;
	s12 =	sadd.s32 $0x4E4400, s12;
	s1 =	ssub.s32 s1, s3  }
0xb: {  	s3 =	sor.u32 $0x10, s2;
	s15 =	sadd.s32 $0x755400, s0;
	s17 =	sshll.u32 s7, $0x5  }
0xc: {  	s24 =	sshll.u32 s18, $0x5;
	s9 =	sshll.u32 s25, $0x7;
	s28 =	sshll.u32 s25, $0x5  }
0xd: {  	s25 =	sshll.u32 s2, $0x1;
	s0 =	sadd.s32 $0x2400, s0;
	s5 =	sshll.u32 s3, $0x4  }
0xe: {  	s21 =	sadd.s32 s6, s15;
	s6 =	sshll.u32 s22, $0x5;
	s23 =	sadd.s32 s17, s15  }
0xf: {  	s26 =	sadd.s32 s24, s15;
	s17 =	sadd.s32 s16, s19;
	s24 =	sadd.s32 s4, s11  }
0x10: {  	s1 =	smax.u32 s1, $0x1;
	s14 =	sand.u32 $0x180, s5;
	[dreg:$0x5] =	wrdreg s21  }
0x11: {  	s5 =	sshll.u32 s22, $0x7;
	s6 =	sadd.s32 s6, s15;
	[dreg:$0x7] =	wrdreg s23  }
0x12: {  	[dreg:$0x8] =	wrdreg s26;
	s15 =	sadd.s32 s28, s15;
	s28 =	sshll.u32 s3, $0x1  }
0x13: {  	s3 =	sshll.u32 s3, $0xC;
	[dreg:$0x6] =	wrdreg s6;
	s6 =	sshll.u32 s7, $0x7  }
0x14: {  	s7 =	sshll.u32 s18, $0x7;
	[dreg:$0x9] =	wrdreg s15;
	s18 =	sadd.s32 s16, s5  }
0x15: {  	s15 =	sshrl.u32 s17, $0x3;
	s14 =	sadd.s32 s14, s24;
	s17 =	sshrl.u32 s18, $0x3  }
0x16: {  	s19 =	sadd.s32 s16, s6;
	s15 =	sadd.s32 s13, s15;
	s22 =	sadd.s32 s16, s7  }
0x17: {  	s16 =	sadd.s32 s16, s9;
	s18 =	sor.u32 $0x4E0, s2;
	[dreg:$0xf] =	wrdreg s14  }
0x18: {  	[dreg:$0xa] =	wrdreg s15;
	s20 =	sadd.s32 s13, s17;
	s21 =	sshrl.u32 s19, $0x3  }
0x19: {  	s16 =	sshrl.u32 s16, $0x3;
	s23 =	sshll.u32 s18, $0x4;
	s19 =	sor.u32 $0x200, s10  }
0x1a: {  	p1 =	sgt.u32 s18, $0x4E1;
	[dreg:$0xb] =	wrdreg s20;
	s15 =	sadd.s32 s13, s21  }
0x1b: {  	s20 =	sand.u32 $0x280, s19;
	[dreg:$0xc] =	wrdreg s15;
	s15 =	sshrl.u32 s22, $0x3  }
0x1c: {  	s19 =	sshll.u32 s2, $0xC;
	s22 =	sshll.u32 s2, $0x5;
	s15 =	sadd.s32 s13, s15  }
0x1d: {  	s13 =	sadd.s32 s13, s16;
	s16 =	sor.u32 $0x300, s10;
	[dreg:$0xd] =	wrdreg s15  }
0x1e: {  	s10 =	sadd.s32 s4, s10;
	[dreg:$0xe] =	wrdreg s13;
	s13 =	sand.u32 $0x4E80, s23  }
0x1f: {  	s15 =	sor.u32 s8, s28;
	[dreg:$0x14] =	wrdreg s10;
	s28 =	smul.u32 $0x50000, s2  }
0x20: {  	s2 =	sor.u32 $0x30, s2;
	s13 =	sadd.s32 s13, s24;
	s17 =	sshll.u32 s15, $0xB  }
0x21: {  	s23 =	sshll.u32 s15, $0x4;
	s24 =	sor.u32 $0x600, s22;
	[dreg:$0x10] =	wrdreg s13  }
0x22: {  	s13 =	sor.u32 s8, s25;
	s8 =	sshll.u32 s8, $0xB;
	s25 =	sand.u32 $0x780, s24  }
0x23: {  	s24 =	rddreg [dreg:$0x3];
	s26 =	sshll.u32 s13, $0xB;
	s21 =	sshll.u32 s13, $0x4  }
0x24: {  	s31 =	sadd.s32 s5, s24;
	s15 =	sadd.s32 s6, s24;
	s5 =	sshll.u32 s18, $0xC  }
0x25: {  	s18 =	simm.s32 $0x4000;
	s14 =	sadd.s32 s12, s26;
	s10 =	sadd.s32 s4, s21  }
0x26: {  	s26 =	sand.u32 $0x7, s13;
	s13 =	sshrl.u32 s28, $0x2;
	s21 =	sadd.s32 s9, s24  }
0x27: {  	s28 =	sadd.s32 s3, s0;
	[dreg:$0x11] =	wrdreg s14;
	s14 =	sand.u32 $0x380, s16  }
0x28: {  	s16 =	sadd.s32 s12, s17;
	s17 =	sadd.s32 s20, s4;
	[dreg:$0x15] =	wrdreg s10  }
0x29: {  	s12 =	sadd.s32 s19, s12;
	s10 =	sadd.s32 s4, s23;
	[dreg:$0x12] =	wrdreg s16  }
0x2a: {  	s20 =	sadd.s32 s7, s24;
	s16 =	simm.s32 $0x0;
	[dreg:$0x16] =	wrdreg s10  }
0x2b: {  	s14 =	sadd.s32 s14, s4;
	s17 =	sadd.s32 s11, s17;
	[smem:$0x7FF] =	sst s16  }
0x2c: {  	s8 =	sadd.s32 s8, s12;
	_ =	strace $0x80000047;
	[dreg:$0x18] =	wrdreg s1  }
0x2d: {  	s10 =	sadd.s32 s25, s4;
	s12 =	sshll.u32 s26, $0x4;
	[dreg:$0x19] =	wrdreg s15  }
0x2e: {  	s26 =	sadd.s32 s13, s24;
	s13 =	simm.s32 $0x8000;
	[dreg:$0x1a] =	wrdreg s20  }
0x2f: {  	s14 =	sadd.s32 s11, s14;
	s11 =	sor.u32 $0x400, s22;
	[dreg:$0x1b] =	wrdreg s21  }
0x30: {  	s23 =	sadd.s32 s12, s10;
	s22 =	sor.u32 $0x30000, s19;
	[dreg:$0x13] =	wrdreg s19  }
0x31: {  	s6 =	sadd.s32 $0x4000, s26;
	s7 =	sadd.s32 $0x8000, s26;
	[dreg:$0x1c] =	wrdreg s2  }
0x32: {  	s9 =	sadd.s32 $0x10000, s26;
	s10 =	simm.s32 $0x3;
	[dreg:$0x1d] =	wrdreg s28  }
0x33: {  	s11 =	sand.u32 $0x580, s11;
	s1 =	sadd.s32 $0x30000, s8;
	[dreg:$0x17] =	wrdreg s0  }
0x34: {  	s8 =	sadd.s32 $0xC000, s26;
	s19 =	simm.s32 $0x8100;
	s21 =	simm.s32 $0x1  }
0x35: {  	s20 =	simm.s32 $0x80;
	s15 =	simm.s32 $0x2;
	s4 =	sadd.s32 s11, s4  }
0x36: {  	s25 =	sadd.s32 s12, s4;
	s4 =	sadd.s32 s0, s22;
	s0 =	sadd.s32 @!p1 s5, s0  }
0x37: {  	s11 =	simm.s32 $0x400;
	s12 =	simm.s32 $0x800;
	[dreg:$0x1e] =	wrdreg s0  }
.LBB2_1:
0x38: {  	[tilespmem:s16], [sflag:$0x3] =	stream.linear.gather [hbm4b:s30+s16], $0x4000, $0x38;
	[tilespmem:$0x1C200] =	vst v63  }
0x39: {  	_ =	swait.ge [sflag:s10], $0x4000  }
0x3a: {  	[sflag:s10] =	ssyncset.done $0x0  }
0x3b: {  	[sflag:s10] =	ssyncadd.s32 $0xFFFFC000  }
0x3c: {  	[spmem:s26] =	stream.linear.scatter [tilespmem:s16], [sflag:$0x3], $0x4000, $0x38;
	[tilespmem:$0x1C200] =	vst v63  }
0x3d: {  	_ =	swait.ge [sflag:s10], $0x4000  }
0x3e: {  	[sflag:s10] =	ssyncset.done $0x0  }
0x3f: {  	[sflag:s10] =	ssyncadd.s32 $0xFFFFC000  }
0x40: {  	[spmem:s6] =	stream.linear.scatter [tilespmem:s16], [sflag:$0x3], $0x4000, $0x38;
	[tilespmem:$0x1C200] =	vst v63  }
0x41: {  	_ =	swait.ge [sflag:s10], $0x4000  }
0x42: {  	[sflag:s10] =	ssyncset.done $0x0  }
0x43: {  	[sflag:s10] =	ssyncadd.s32 $0xFFFFC000  }
0x44: {  	[spmem:s7] =	stream.linear.scatter [tilespmem:s16], [sflag:$0x3], $0x4000, $0x38;
	[tilespmem:$0x1C200] =	vst v63  }
0x45: {  	_ =	swait.ge [sflag:s10], $0x4000  }
0x46: {  	[sflag:s10] =	ssyncset.done $0x0  }
0x47: {  	[sflag:s10] =	ssyncadd.s32 $0xFFFFC000  }
0x48: {  	[spmem:s8] =	stream.linear.scatter [tilespmem:s16], [sflag:$0x3], $0x4000, $0x38;
	[tilespmem:$0x1C200] =	vst v63  }
0x49: {  	_ =	swait.ge [sflag:s10], $0x4000  }
0x4a: {  	[sflag:s10] =	ssyncset.done $0x0  }
0x4b: {  	[sflag:s10] =	ssyncadd.s32 $0xFFFFC000  }
0x4c: {  	[spmem:s9] =	stream.linear.scatter [tilespmem:s16], [sflag:$0x3], $0x4000, $0x38;
	[tilespmem:$0x1C200] =	vst v63  }
0x4d: {  	_ =	swait.ge [sflag:s10], $0x4000  }
0x4e: {  	[sflag:s10] =	ssyncset.done $0x0  }
0x4f: {  	[sflag:s10] =	ssyncadd.s32 $0xFFFFC000  }
0x50: {  	[bflag:$0x0] =	sbarrier.arrive $0xFFFF  }
0x51: {  	s3 =	rddreg [dreg:$0x13]  }
0x52: {  	s0 =	rddreg [dreg:$0x17]  }
0x53: {  	s3 =	sadd.s32 s3, s0  }
0x54: {  	[tilespmem:s16], [sflag:$0x1] =	stream.strided.gather [hbm4b:s3+s11], $0x4000, s12, s11, $0x38;
	[tilespmem:$0x1C200] =	vst v63  }
0x55: {  	s5 =	rddreg [dreg:$0x14]  }
0x56: {  	[tilespmem:s13], [sflag:$0x1] =	stream.linear.gather [hbm4b:s5+s16], $0x80, $0x38;
	[tilespmem:$0x1C200] =	vst v63  }
0x57: {  	s22 =	rddreg [dreg:$0x1d]  }
0x58: {  	[tilespmem:s18], [sflag:$0x2] =	stream.strided.gather [hbm4b:s22+s11], $0x4000, s12, s11, $0x38;
	[tilespmem:$0x1C200] =	vst v63  }
0x59: {  	s2 =	rddreg [dreg:$0xf]  }
0x5a: {  	[tilespmem:s19], [sflag:$0x2] =	stream.linear.gather [hbm4b:s2+s16], $0x80, $0x38;
	[tilespmem:$0x1C200] =	vst v63  }
0x5b: {  	_ =	swait.ge [sflag:s21], $0x4000  }
0x5c: {  	[sflag:s21] =	ssyncset.done $0x0  }
0x5d: {  	[sflag:s21] =	ssyncadd.s32 $0xFFFFC000  }
0x5e: {  	_ =	swait.ge [sflag:s21], $0x80  }
0x5f: {  	[sflag:s21] =	ssyncset.done $0x0  }
0x60: {  	[sflag:s21] =	ssyncadd.s32 $0xFFFFFF80  }
0x61: {  	[spmem:s24] =	stream.indirect.scatter.add.f32 [tilespmem:s16], [sflag:$0x3], $0x80, s13, s20, $0xb8;
	[tilespmem:$0x1C200] =	vst v63  }
0x62: {  	_ =	swait.ge [sflag:s10], $0x4000  }
0x63: {  	[sflag:s10] =	ssyncset.done $0x0  }
0x64: {  	s5 =	sadd.s32 $0xFFFF0000, s4;
	[sflag:s10] =	ssyncadd.s32 $0xFFFFC000  }
0x65: {  	[tilespmem:s16], [sflag:$0x1] =	stream.strided.gather [hbm4b:s5+s11], $0x4000, s12, s11, $0x38;
	[tilespmem:$0x1C200] =	vst v63  }
0x66: {  	s22 =	sadd.s32 $0x0, s17  }
0x67: {  	[tilespmem:s13], [sflag:$0x1] =	stream.linear.gather [hbm4b:s22+s16], $0x80, $0x38;
	[tilespmem:$0x1C200] =	vst v63  }
0x68: {  	_ =	swait.ge [sflag:s15], $0x4000  }
0x69: {  	[sflag:s15] =	ssyncset.done $0x0  }
0x6a: {  	[sflag:s15] =	ssyncadd.s32 $0xFFFFC000  }
0x6b: {  	_ =	swait.ge [sflag:s15], $0x80  }
0x6c: {  	[sflag:s15] =	ssyncset.done $0x0  }
0x6d: {  	[sflag:s15] =	ssyncadd.s32 $0xFFFFFF80  }
0x6e: {  	[spmem:s24] =	stream.indirect.scatter.add.f32 [tilespmem:s18], [sflag:$0x3], $0x80, s19, s20, $0xb8;
	[tilespmem:$0x1C200] =	vst v63  }
0x6f: {  	_ =	swait.ge [sflag:s10], $0x4000  }
0x70: {  	s28 =	sadd.s32 $0x0, s14;
	[sflag:s10] =	ssyncset.done $0x0  }
0x71: {  	s3 =	simm.s32 $0x200;
	s5 =	sadd.s32 $0x20000, s4;
	[sflag:s10] =	ssyncadd.s32 $0xFFFFC000  }
0x72: {  	[tilespmem:s18], [sflag:$0x2] =	stream.strided.gather [hbm4b:s4+s11], $0x4000, s12, s11, $0x38;
	[tilespmem:$0x1C200] =	vst v63  }
.LBB2_2:
0x73: {  	[tilespmem:s19], [sflag:$0x2] =	stream.linear.gather [hbm4b:s28+s16], $0x80, $0x38;
	[tilespmem:$0x1C200] =	vst v63  }
0x74: {  	s22 =	smov.u32 s3  }
0x75: {  	p3 =	sne.s32 s3, $0x4A00;
	s3 =	sadd.s32 $0x200, s3;
	_ =	swait.ge [sflag:s21], $0x4000  }
0x76: {  	[sflag:s21] =	ssyncset.done $0x0  }
0x77: {  	[sflag:s21] =	ssyncadd.s32 $0xFFFFC000  }
0x78: {  	_ =	swait.ge [sflag:s21], $0x80  }
0x79: {  	[sflag:s21] =	ssyncset.done $0x0  }
0x7a: {  	[sflag:s21] =	ssyncadd.s32 $0xFFFFFF80  }
0x7b: {  	[spmem:s24] =	stream.indirect.scatter.add.f32 [tilespmem:s16], [sflag:$0x3], $0x80, s13, s20, $0xb8;
	[tilespmem:$0x1C200] =	vst v63  }
0x7c: {  	_ =	swait.ge [sflag:s10], $0x4000  }
0x7d: {  	[sflag:s10] =	ssyncset.done $0x0  }
0x7e: {  	s28 =	sadd.s32 $0xFFFF0000, s5;
	[sflag:s10] =	ssyncadd.s32 $0xFFFFC000  }
0x7f: {  	[tilespmem:s16], [sflag:$0x1] =	stream.strided.gather [hbm4b:s28+s11], $0x4000, s12, s11, $0x38;
	[tilespmem:$0x1C200] =	vst v63  }
0x80: {  	s28 =	sadd.s32 s22, s17  }
0x81: {  	[tilespmem:s13], [sflag:$0x1] =	stream.linear.gather [hbm4b:s28+s16], $0x80, $0x38;
	[tilespmem:$0x1C200] =	vst v63  }
0x82: {  	_ =	swait.ge [sflag:s15], $0x4000  }
0x83: {  	[sflag:s15] =	ssyncset.done $0x0  }
0x84: {  	[sflag:s15] =	ssyncadd.s32 $0xFFFFC000  }
0x85: {  	_ =	swait.ge [sflag:s15], $0x80  }
0x86: {  	[sflag:s15] =	ssyncset.done $0x0  }
0x87: {  	[sflag:s15] =	ssyncadd.s32 $0xFFFFFF80  }
0x88: {  	[spmem:s24] =	stream.indirect.scatter.add.f32 [tilespmem:s18], [sflag:$0x3], $0x80, s19, s20, $0xb8;
	[tilespmem:$0x1C200] =	vst v63  }
.Ltmp0:
0x89: {  	_ =	swait.ge [sflag:s10], $0x4000;
	(pc) =	sbr.rel @p3 .LBB2_2-.Ltmp0, $4  }
0x8a: {  	[sflag:s10] =	ssyncset.done $0x0  }
0x8b: {  	[sflag:s10] =	ssyncadd.s32 $0xFFFFC000  }
0x8c: {  	[tilespmem:s18], [sflag:$0x2] =	stream.strided.gather [hbm4b:s5+s11], $0x4000, s12, s11, $0x38;
	[tilespmem:$0x1C200] =	vst v63  }
0x8d: {  	s28 =	sadd.s32 s22, s14;
	s5 =	sadd.s32 $0x20000, s5  }
0x8e: {  	[tilespmem:s19], [sflag:$0x2] =	stream.linear.gather [hbm4b:s28+s16], $0x80, $0x38;
	[tilespmem:$0x1C200] =	vst v63  }
0x8f: {  	_ =	swait.ge [sflag:s21], $0x4000  }
0x90: {  	[sflag:s21] =	ssyncset.done $0x0  }
0x91: {  	[sflag:s21] =	ssyncadd.s32 $0xFFFFC000  }
0x92: {  	_ =	swait.ge [sflag:s21], $0x80  }
0x93: {  	[sflag:s21] =	ssyncset.done $0x0  }
0x94: {  	[sflag:s21] =	ssyncadd.s32 $0xFFFFFF80  }
0x95: {  	[spmem:s24] =	stream.indirect.scatter.add.f32 [tilespmem:s16], [sflag:$0x3], $0x80, s13, s20, $0xb8;
	[tilespmem:$0x1C200] =	vst v63  }
0x96: {  	_ =	swait.ge [sflag:s10], $0x4000  }
0x97: {  	s3 =	simm.s32 @!p1 $0x400;
	s5 =	simm.s32 @!p1 $0x800;
	[sflag:s10] =	ssyncset.done $0x0  }
0x98: {  	s22 =	simm.s32 @!p1 $0x0;
	s0 =	rddreg [dreg:$0x1e];
	[sflag:s10] =	ssyncadd.s32 $0xFFFFC000  }
0x99: {  	[tilespmem:s22], [sflag:$0x1] =	stream.strided.gather @!p1 [hbm4b:s0+s3], $0x4000, s5, s3, $0x38;
	[tilespmem:$0x1C200] =	vst v63  }
0x9a: {  	s3 =	simm.s32 @!p1 $0x8000;
	s5 =	rddreg [dreg:$0x10]  }
0x9b: {  	[tilespmem:s3], [sflag:$0x1] =	stream.linear.gather @!p1 [hbm4b:s5+s22], $0x80, $0x38;
	[tilespmem:$0x1C200] =	vst v63  }
0x9c: {  	_ =	swait.ge [sflag:s15], $0x4000  }
0x9d: {  	[sflag:s15] =	ssyncset.done $0x0  }
0x9e: {  	[sflag:s15] =	ssyncadd.s32 $0xFFFFC000  }
0x9f: {  	_ =	swait.ge [sflag:s15], $0x80  }
0xa0: {  	[sflag:s15] =	ssyncset.done $0x0  }
0xa1: {  	[sflag:s15] =	ssyncadd.s32 $0xFFFFFF80  }
0xa2: {  	[spmem:s24] =	stream.indirect.scatter.add.f32 [tilespmem:s18], [sflag:$0x3], $0x80, s19, s20, $0xb8;
	[tilespmem:$0x1C200] =	vst v63  }
0xa3: {  	_ =	swait.ge [sflag:s10], $0x4000  }
0xa4: {  	[sflag:s10] =	ssyncset.done $0x0  }
0xa5: {  	s3 =	simm.s32 @!p2 $0x1;
	[sflag:s10] =	ssyncadd.s32 $0xFFFFC000  }
0xa6: {  	_ =	swait.ge @!p2 [sflag:s3], $0x4000  }
0xa7: {  	[sflag:s3] =	ssyncset.done @!p2 $0x0  }
0xa8: {  	[sflag:s3] =	ssyncadd.s32 @!p2 $0xFFFFC000  }
0xa9: {  	_ =	swait.ge @!p2 [sflag:s3], $0x80  }
0xaa: {  	s5 =	simm.s32 @!p2 $0x8000;
	[sflag:s3] =	ssyncset.done @!p2 $0x0  }
0xab: {  	s22 =	simm.s32 @!p2 $0x0;
	[sflag:s3] =	ssyncadd.s32 @!p2 $0xFFFFFF80;
	s3 =	simm.s32 @!p2 $0x80  }
0xac: {  	[spmem:s24] =	stream.indirect.scatter.add.f32 @!p2 [tilespmem:s22], [sflag:$0x3], $0x80, s5, s3, $0xb8;
	[tilespmem:$0x1C200] =	vst v63  }
0xad: {  	s3 =	simm.s32 @!p2 $0x3  }
0xae: {  	_ =	swait.ge @!p2 [sflag:s3], $0x4000  }
0xaf: {  	[sflag:s3] =	ssyncset.done @!p2 $0x0  }
0xb0: {  	[sflag:s3] =	ssyncadd.s32 @!p2 $0xFFFFC000  }
0xb1: {  	[bflag:$0x0] =	sbarrier.arrive $0xFFFF  }
0xb2: {  	[tilespmem:s18], [sflag:$0x3] =	stream.linear.gather [spmem:s26], $0x4000, $0x38;
	[tilespmem:$0x1C200] =	vst v63  }
0xb3: {  	_ =	swait.ge [sflag:s10], $0x4000  }
0xb4: {  	[sflag:s10] =	ssyncset.done $0x0  }
0xb5: {  	s22 =	rddreg [dreg:$0x5];
	[sflag:s10] =	ssyncadd.s32 $0xFFFFC000  }
0xb6: {  	[hbm4b:s22+s11] =	stream.strided.scatter [tilespmem:s18], [sflag:$0x3], $0x4000, s12, s11, $0x38;
	[tilespmem:$0x1C200] =	vst v63  }
0xb7: {  	_ =	swait.ge [sflag:s10], $0x4000  }
0xb8: {  	[sflag:s10] =	ssyncset.done $0x0  }
0xb9: {  	[sflag:s10] =	ssyncadd.s32 $0xFFFFC000  }
0xba: {  	[tilespmem:s18], [sflag:$0x3] =	stream.linear.gather [spmem:s31], $0x4000, $0x38;
	[tilespmem:$0x1C200] =	vst v63  }
0xbb: {  	_ =	swait.ge [sflag:s10], $0x4000  }
0xbc: {  	[sflag:s10] =	ssyncset.done $0x0  }
0xbd: {  	s0 =	rddreg [dreg:$0x6];
	[sflag:s10] =	ssyncadd.s32 $0xFFFFC000  }
0xbe: {  	[hbm4b:s0+s11] =	stream.strided.scatter [tilespmem:s18], [sflag:$0x3], $0x4000, s12, s11, $0x38;
	[tilespmem:$0x1C200] =	vst v63  }
0xbf: {  	_ =	swait.ge [sflag:s10], $0x4000  }
0xc0: {  	[sflag:s10] =	ssyncset.done $0x0  }
0xc1: {  	s3 =	rddreg [dreg:$0x19];
	[sflag:s10] =	ssyncadd.s32 $0xFFFFC000  }
0xc2: {  	[tilespmem:s18], [sflag:$0x3] =	stream.linear.gather [spmem:s3], $0x4000, $0x38;
	[tilespmem:$0x1C200] =	vst v63  }
0xc3: {  	_ =	swait.ge [sflag:s10], $0x4000  }
0xc4: {  	[sflag:s10] =	ssyncset.done $0x0  }
0xc5: {  	s5 =	rddreg [dreg:$0x7];
	[sflag:s10] =	ssyncadd.s32 $0xFFFFC000  }
0xc6: {  	[hbm4b:s5+s11] =	stream.strided.scatter [tilespmem:s18], [sflag:$0x3], $0x4000, s12, s11, $0x38;
	[tilespmem:$0x1C200] =	vst v63  }
0xc7: {  	_ =	swait.ge [sflag:s10], $0x4000  }
0xc8: {  	[sflag:s10] =	ssyncset.done $0x0  }
0xc9: {  	s22 =	rddreg [dreg:$0x1a];
	[sflag:s10] =	ssyncadd.s32 $0xFFFFC000  }
0xca: {  	[tilespmem:s18], [sflag:$0x3] =	stream.linear.gather [spmem:s22], $0x4000, $0x38;
	[tilespmem:$0x1C200] =	vst v63  }
0xcb: {  	_ =	swait.ge [sflag:s10], $0x4000  }
0xcc: {  	[sflag:s10] =	ssyncset.done $0x0  }
0xcd: {  	s0 =	rddreg [dreg:$0x8];
	[sflag:s10] =	ssyncadd.s32 $0xFFFFC000  }
0xce: {  	[hbm4b:s0+s11] =	stream.strided.scatter [tilespmem:s18], [sflag:$0x3], $0x4000, s12, s11, $0x38;
	[tilespmem:$0x1C200] =	vst v63  }
0xcf: {  	_ =	swait.ge [sflag:s10], $0x4000  }
0xd0: {  	[sflag:s10] =	ssyncset.done $0x0  }
0xd1: {  	s3 =	rddreg [dreg:$0x1b];
	[sflag:s10] =	ssyncadd.s32 $0xFFFFC000  }
0xd2: {  	[tilespmem:s18], [sflag:$0x3] =	stream.linear.gather [spmem:s3], $0x4000, $0x38;
	[tilespmem:$0x1C200] =	vst v63  }
0xd3: {  	_ =	swait.ge [sflag:s10], $0x4000  }
0xd4: {  	[sflag:s10] =	ssyncset.done $0x0  }
0xd5: {  	s5 =	rddreg [dreg:$0x9];
	[sflag:s10] =	ssyncadd.s32 $0xFFFFC000  }
0xd6: {  	[hbm4b:s5+s11] =	stream.strided.scatter [tilespmem:s18], [sflag:$0x3], $0x4000, s12, s11, $0x38;
	[tilespmem:$0x1C200] =	vst v63  }
0xd7: {  	_ =	swait.ge [sflag:s10], $0x4000  }
0xd8: {  	[sflag:s10] =	ssyncset.done $0x0  }
0xd9: {  	[sflag:s10] =	ssyncadd.s32 $0xFFFFC000  }
0xda: {  	s3 =	simm.s32 $0x0;
	[bflag:$0x0] =	sbarrier.arrive $0xFFFF  }
0xdb: {  	[tilespmem:s3], [sflag:$0x3] =	stream.linear.gather [hbm4b:s30+s3], $0x4000, $0x38;
	[tilespmem:$0x1C200] =	vst v63  }
0xdc: {  	_ =	swait.ge [sflag:s10], $0x4000  }
0xdd: {  	[sflag:s10] =	ssyncset.done $0x0  }
0xde: {  	[sflag:s10] =	ssyncadd.s32 $0xFFFFC000  }
0xdf: {  	[spmem:s26] =	stream.linear.scatter [tilespmem:s3], [sflag:$0x3], $0x4000, $0x38;
	[tilespmem:$0x1C200] =	vst v63  }
0xe0: {  	_ =	swait.ge [sflag:s10], $0x4000  }
0xe1: {  	[sflag:s10] =	ssyncset.done $0x0  }
0xe2: {  	[sflag:s10] =	ssyncadd.s32 $0xFFFFC000  }
0xe3: {  	[spmem:s6] =	stream.linear.scatter [tilespmem:s3], [sflag:$0x3], $0x4000, $0x38;
	[tilespmem:$0x1C200] =	vst v63  }
0xe4: {  	_ =	swait.ge [sflag:s10], $0x4000  }
0xe5: {  	[sflag:s10] =	ssyncset.done $0x0  }
0xe6: {  	[sflag:s10] =	ssyncadd.s32 $0xFFFFC000  }
0xe7: {  	[spmem:s7] =	stream.linear.scatter [tilespmem:s3], [sflag:$0x3], $0x4000, $0x38;
	[tilespmem:$0x1C200] =	vst v63  }
0xe8: {  	_ =	swait.ge [sflag:s10], $0x4000  }
0xe9: {  	[sflag:s10] =	ssyncset.done $0x0  }
0xea: {  	[sflag:s10] =	ssyncadd.s32 $0xFFFFC000  }
0xeb: {  	[spmem:s8] =	stream.linear.scatter [tilespmem:s3], [sflag:$0x3], $0x4000, $0x38;
	[tilespmem:$0x1C200] =	vst v63  }
0xec: {  	_ =	swait.ge [sflag:s10], $0x4000  }
0xed: {  	[sflag:s10] =	ssyncset.done $0x0  }
0xee: {  	[sflag:s10] =	ssyncadd.s32 $0xFFFFC000  }
0xef: {  	[spmem:s9] =	stream.linear.scatter [tilespmem:s3], [sflag:$0x3], $0x4000, $0x38;
	[tilespmem:$0x1C200] =	vst v63  }
0xf0: {  	_ =	swait.ge [sflag:s10], $0x4000  }
0xf1: {  	[sflag:s10] =	ssyncset.done $0x0  }
0xf2: {  	[sflag:s10] =	ssyncadd.s32 $0xFFFFC000  }
0xf3: {  	[bflag:$0x0] =	sbarrier.arrive $0xFFFF  }
0xf4: {  	s22 =	rddreg [dreg:$0x11]  }
0xf5: {  	[tilespmem:s3], [sflag:$0x1] =	stream.linear.gather [hbm4b:s22+s3], $0x4000, $0x38;
	[tilespmem:$0x1C200] =	vst v63  }
0xf6: {  	s22 =	rddreg [dreg:$0x15]  }
0xf7: {  	[tilespmem:s13], [sflag:$0x1] =	stream.linear.gather [hbm4b:s22+s3], $0x80, $0x38;
	[tilespmem:$0x1C200] =	vst v63  }
0xf8: {  	s22 =	rddreg [dreg:$0x12]  }
0xf9: {  	[tilespmem:s18], [sflag:$0x2] =	stream.linear.gather [hbm4b:s22+s3], $0x4000, $0x38;
	[tilespmem:$0x1C200] =	vst v63  }
0xfa: {  	s22 =	rddreg [dreg:$0x16]  }
0xfb: {  	[tilespmem:s19], [sflag:$0x2] =	stream.linear.gather [hbm4b:s22+s3], $0x80, $0x38;
	[tilespmem:$0x1C200] =	vst v63  }
0xfc: {  	_ =	swait.ge [sflag:s21], $0x4000  }
0xfd: {  	[sflag:s21] =	ssyncset.done $0x0  }
0xfe: {  	[sflag:s21] =	ssyncadd.s32 $0xFFFFC000  }
0xff: {  	_ =	swait.ge [sflag:s21], $0x80  }
0x100: {  	[sflag:s21] =	ssyncset.done $0x0  }
0x101: {  	[sflag:s21] =	ssyncadd.s32 $0xFFFFFF80  }
0x102: {  	[spmem:s24] =	stream.indirect.scatter.add.f32 [tilespmem:s16], [sflag:$0x3], $0x80, s13, s20, $0xb8;
	[tilespmem:$0x1C200] =	vst v63  }
0x103: {  	_ =	swait.ge [sflag:s10], $0x4000  }
0x104: {  	[sflag:s10] =	ssyncset.done $0x0  }
0x105: {  	s22 =	sadd.s32 $0xFFFF0000, s1;
	[sflag:s10] =	ssyncadd.s32 $0xFFFFC000  }
0x106: {  	[tilespmem:s16], [sflag:$0x1] =	stream.linear.gather [hbm4b:s22+s16], $0x4000, $0x38;
	[tilespmem:$0x1C200] =	vst v63  }
0x107: {  	s5 =	sadd.s32 $0x0, s25  }
0x108: {  	[tilespmem:s13], [sflag:$0x1] =	stream.linear.gather [hbm4b:s5+s16], $0x80, $0x38;
	[tilespmem:$0x1C200] =	vst v63  }
0x109: {  	_ =	swait.ge [sflag:s15], $0x4000  }
0x10a: {  	[sflag:s15] =	ssyncset.done $0x0  }
0x10b: {  	[sflag:s15] =	ssyncadd.s32 $0xFFFFC000  }
0x10c: {  	_ =	swait.ge [sflag:s15], $0x80  }
0x10d: {  	[sflag:s15] =	ssyncset.done $0x0  }
0x10e: {  	[sflag:s15] =	ssyncadd.s32 $0xFFFFFF80  }
0x10f: {  	[spmem:s24] =	stream.indirect.scatter.add.f32 [tilespmem:s18], [sflag:$0x3], $0x80, s19, s20, $0xb8;
	[tilespmem:$0x1C200] =	vst v63  }
0x110: {  	s2 =	smov.u32 s31;
	_ =	swait.ge [sflag:s10], $0x4000  }
0x111: {  	s28 =	sadd.s32 $0x20000, s1;
	[sflag:s10] =	ssyncset.done $0x0;
	s22 =	rddreg [dreg:$0x1c]  }
0x112: {  	s0 =	smov.u32 s30;
	p4 =	sgt.u32 s22, $0x270;
	[sflag:s10] =	ssyncadd.s32 $0xFFFFC000  }
0x113: {  	s5 =	sadd.s32 $0x20, s22;
	s30 =	simm.s32 @!p4 $0x0;
	s3 =	simm.s32 @!p4 $0x4000  }
0x114: {  	[tilespmem:s3], [sflag:$0x2] =	stream.linear.gather @!p4 [hbm4b:s1+s30], $0x4000, $0x38;
	[tilespmem:$0x1C200] =	vst v63  }
0x115: {  	s31 =	sadd.s32 @!p4 $0x0, s23;
	s22 =	simm.s32 @!p4 $0x8100;
	s3 =	simm.s32 $0x400  }
.LBB2_4:
0x116: {  	[tilespmem:s22], [sflag:$0x2] =	stream.linear.gather @!p4 [hbm4b:s31+s30], $0x80, $0x38;
	[tilespmem:$0x1C200] =	vst v63  }
0x117: {  	s22 =	smov.u32 s3;
	s3 =	sadd.s32 $0x400, s3;
	_ =	swait.ge [sflag:s21], $0x4000  }
0x118: {  	p3 =	sne.s32 s3, $0x4C00;
	[sflag:s21] =	ssyncset.done $0x0  }
0x119: {  	[sflag:s21] =	ssyncadd.s32 $0xFFFFC000  }
0x11a: {  	_ =	swait.ge [sflag:s21], $0x80  }
0x11b: {  	[sflag:s21] =	ssyncset.done $0x0  }
0x11c: {  	[sflag:s21] =	ssyncadd.s32 $0xFFFFFF80  }
0x11d: {  	[spmem:s24] =	stream.indirect.scatter.add.f32 [tilespmem:s16], [sflag:$0x3], $0x80, s13, s20, $0xb8;
	[tilespmem:$0x1C200] =	vst v63  }
0x11e: {  	_ =	swait.ge [sflag:s10], $0x4000  }
0x11f: {  	[sflag:s10] =	ssyncset.done $0x0  }
0x120: {  	s30 =	sadd.s32 $0xFFFF0000, s28;
	[sflag:s10] =	ssyncadd.s32 $0xFFFFC000  }
0x121: {  	[tilespmem:s16], [sflag:$0x1] =	stream.linear.gather [hbm4b:s30+s16], $0x4000, $0x38;
	[tilespmem:$0x1C200] =	vst v63  }
0x122: {  	s30 =	sadd.s32 s22, s25  }
0x123: {  	[tilespmem:s13], [sflag:$0x1] =	stream.linear.gather [hbm4b:s30+s16], $0x80, $0x38;
	[tilespmem:$0x1C200] =	vst v63  }
0x124: {  	_ =	swait.ge [sflag:s15], $0x4000  }
0x125: {  	[sflag:s15] =	ssyncset.done $0x0  }
0x126: {  	[sflag:s15] =	ssyncadd.s32 $0xFFFFC000  }
0x127: {  	_ =	swait.ge [sflag:s15], $0x80  }
0x128: {  	[sflag:s15] =	ssyncset.done $0x0  }
0x129: {  	[sflag:s15] =	ssyncadd.s32 $0xFFFFFF80  }
0x12a: {  	[spmem:s24] =	stream.indirect.scatter.add.f32 [tilespmem:s18], [sflag:$0x3], $0x80, s19, s20, $0xb8;
	[tilespmem:$0x1C200] =	vst v63  }
.Ltmp1:
0x12b: {  	_ =	swait.ge [sflag:s10], $0x4000;
	(pc) =	sbr.rel @p3 .LBB2_4-.Ltmp1, $4  }
0x12c: {  	p4 =	sgt.u32 s5, $0x270;
	s5 =	sadd.s32 $0x20, s5;
	[sflag:s10] =	ssyncset.done $0x0  }
0x12d: {  	s31 =	simm.s32 @!p4 $0x4000;
	s30 =	simm.s32 @!p4 $0x0;
	[sflag:s10] =	ssyncadd.s32 $0xFFFFC000  }
0x12e: {  	[tilespmem:s31], [sflag:$0x2] =	stream.linear.gather @!p4 [hbm4b:s28+s30], $0x4000, $0x38;
	[tilespmem:$0x1C200] =	vst v63  }
0x12f: {  	s31 =	sadd.s32 @!p4 s22, s23;
	s22 =	simm.s32 @!p4 $0x8100;
	s28 =	sadd.s32 $0x20000, s28  }
0x130: {  	[tilespmem:s22], [sflag:$0x2] =	stream.linear.gather @!p4 [hbm4b:s31+s30], $0x80, $0x38;
	[tilespmem:$0x1C200] =	vst v63  }
0x131: {  	_ =	swait.ge [sflag:s21], $0x4000  }
0x132: {  	[sflag:s21] =	ssyncset.done $0x0  }
0x133: {  	[sflag:s21] =	ssyncadd.s32 $0xFFFFC000  }
0x134: {  	_ =	swait.ge [sflag:s21], $0x80  }
0x135: {  	[sflag:s21] =	ssyncset.done $0x0  }
0x136: {  	[sflag:s21] =	ssyncadd.s32 $0xFFFFFF80  }
0x137: {  	[spmem:s24] =	stream.indirect.scatter.add.f32 [tilespmem:s16], [sflag:$0x3], $0x80, s13, s20, $0xb8;
	[tilespmem:$0x1C200] =	vst v63  }
0x138: {  	_ =	swait.ge [sflag:s10], $0x4000  }
0x139: {  	[sflag:s10] =	ssyncset.done $0x0  }
0x13a: {  	s3 =	simm.s32 @!p0 $0x2;
	[sflag:s10] =	ssyncadd.s32 $0xFFFFC000  }
0x13b: {  	_ =	swait.ge @!p0 [sflag:s3], $0x4000  }
0x13c: {  	[sflag:s3] =	ssyncset.done @!p0 $0x0  }
0x13d: {  	[sflag:s3] =	ssyncadd.s32 @!p0 $0xFFFFC000  }
0x13e: {  	_ =	swait.ge @!p0 [sflag:s3], $0x80  }
0x13f: {  	s5 =	simm.s32 @!p0 $0x8100;
	[sflag:s3] =	ssyncset.done @!p0 $0x0  }
0x140: {  	s22 =	simm.s32 @!p0 $0x4000;
	[sflag:s3] =	ssyncadd.s32 @!p0 $0xFFFFFF80;
	s3 =	simm.s32 @!p0 $0x80  }
0x141: {  	[spmem:s24] =	stream.indirect.scatter.add.f32 @!p0 [tilespmem:s22], [sflag:$0x3], $0x80, s5, s3, $0xb8;
	[tilespmem:$0x1C200] =	vst v63  }
0x142: {  	s3 =	simm.s32 @!p0 $0x3  }
0x143: {  	_ =	swait.ge @!p0 [sflag:s3], $0x4000  }
0x144: {  	[sflag:s3] =	ssyncset.done @!p0 $0x0  }
0x145: {  	[sflag:s3] =	ssyncadd.s32 @!p0 $0xFFFFC000  }
0x146: {  	[bflag:$0x0] =	sbarrier.arrive $0xFFFF  }
0x147: {  	[tilespmem:s18], [sflag:$0x3] =	stream.linear.gather [spmem:s26], $0x4000, $0x38;
	[tilespmem:$0x1C200] =	vst v63  }
0x148: {  	_ =	swait.ge [sflag:s10], $0x4000  }
0x149: {  	[sflag:s10] =	ssyncset.done $0x0  }
0x14a: {  	s28 =	rddreg [dreg:$0xa];
	[sflag:s10] =	ssyncadd.s32 $0xFFFFC000  }
0x14b: {  	[hbm4b:s28+s16] =	stream.linear.scatter [tilespmem:s18], [sflag:$0x3], $0x4000, $0x38;
	[tilespmem:$0x1C200] =	vst v63  }
0x14c: {  	_ =	swait.ge [sflag:s10], $0x4000  }
0x14d: {  	[sflag:s10] =	ssyncset.done $0x0  }
0x14e: {  	[sflag:s10] =	ssyncadd.s32 $0xFFFFC000  }
0x14f: {  	[tilespmem:s18], [sflag:$0x3] =	stream.linear.gather [spmem:s2], $0x4000, $0x38;
	[tilespmem:$0x1C200] =	vst v63  }
0x150: {  	_ =	swait.ge [sflag:s10], $0x4000  }
0x151: {  	[sflag:s10] =	ssyncset.done $0x0  }
0x152: {  	s31 =	smov.u32 s2;
	s2 =	rddreg [dreg:$0xb];
	[sflag:s10] =	ssyncadd.s32 $0xFFFFC000  }
0x153: {  	[hbm4b:s2+s16] =	stream.linear.scatter [tilespmem:s18], [sflag:$0x3], $0x4000, $0x38;
	[tilespmem:$0x1C200] =	vst v63  }
0x154: {  	_ =	swait.ge [sflag:s10], $0x4000  }
0x155: {  	[sflag:s10] =	ssyncset.done $0x0  }
0x156: {  	s5 =	rddreg [dreg:$0x19];
	[sflag:s10] =	ssyncadd.s32 $0xFFFFC000  }
0x157: {  	[tilespmem:s18], [sflag:$0x3] =	stream.linear.gather [spmem:s5], $0x4000, $0x38;
	[tilespmem:$0x1C200] =	vst v63  }
0x158: {  	_ =	swait.ge [sflag:s10], $0x4000  }
0x159: {  	[sflag:s10] =	ssyncset.done $0x0  }
0x15a: {  	s22 =	rddreg [dreg:$0xc];
	[sflag:s10] =	ssyncadd.s32 $0xFFFFC000  }
0x15b: {  	[hbm4b:s22+s16] =	stream.linear.scatter [tilespmem:s18], [sflag:$0x3], $0x4000, $0x38;
	[tilespmem:$0x1C200] =	vst v63  }
0x15c: {  	_ =	swait.ge [sflag:s10], $0x4000  }
0x15d: {  	[sflag:s10] =	ssyncset.done $0x0  }
0x15e: {  	s28 =	rddreg [dreg:$0x1a];
	[sflag:s10] =	ssyncadd.s32 $0xFFFFC000  }
0x15f: {  	[tilespmem:s18], [sflag:$0x3] =	stream.linear.gather [spmem:s28], $0x4000, $0x38;
	[tilespmem:$0x1C200] =	vst v63  }
0x160: {  	_ =	swait.ge [sflag:s10], $0x4000  }
0x161: {  	[sflag:s10] =	ssyncset.done $0x0  }
0x162: {  	s2 =	rddreg [dreg:$0xd];
	[sflag:s10] =	ssyncadd.s32 $0xFFFFC000  }
0x163: {  	[hbm4b:s2+s16] =	stream.linear.scatter [tilespmem:s18], [sflag:$0x3], $0x4000, $0x38;
	[tilespmem:$0x1C200] =	vst v63  }
0x164: {  	_ =	swait.ge [sflag:s10], $0x4000  }
0x165: {  	[sflag:s10] =	ssyncset.done $0x0  }
0x166: {  	s5 =	rddreg [dreg:$0x1b];
	[sflag:s10] =	ssyncadd.s32 $0xFFFFC000  }
0x167: {  	[tilespmem:s18], [sflag:$0x3] =	stream.linear.gather [spmem:s5], $0x4000, $0x38;
	[tilespmem:$0x1C200] =	vst v63  }
0x168: {  	_ =	swait.ge [sflag:s10], $0x4000  }
0x169: {  	[sflag:s10] =	ssyncset.done $0x0  }
0x16a: {  	s22 =	rddreg [dreg:$0xe];
	[sflag:s10] =	ssyncadd.s32 $0xFFFFC000  }
0x16b: {  	[hbm4b:s22+s16] =	stream.linear.scatter [tilespmem:s18], [sflag:$0x3], $0x4000, $0x38;
	[tilespmem:$0x1C200] =	vst v63  }
0x16c: {  	_ =	swait.ge [sflag:s10], $0x4000  }
0x16d: {  	s29 =	sadd.s32 $0x1, s29;
	s28 =	rddreg [dreg:$0x18]  }
0x16e: {  	p3 =	sne.s32 s29, s28  }
.Ltmp2:
0x16f: {  	_ = 	snop;
	(pc) =	sbr.rel @p3 .LBB2_1-.Ltmp2, $3  }
0x170: {  	_ =	sdelay $0x1  }
0x171: {  	[sflag:s10] =	ssyncset.done $0x0  }
0x172: {  	s30 =	smov.u32 s0;
	[sflag:s10] =	ssyncadd.s32 $0xFFFFC000  }
0x173: {  	_ =	sfence.sel $0x180000  }
0x174: {  	[bflag:$0x0] =	sbarrier.arrive $0xFFFF  }
0x175: {  	_ =	strace $0x90000047  }
0x176: {  	[bflag:$0x2] =	sbarrier.arrive $0xFFFF  }
0x177: {  	s0 =	rddreg [dreg:$0x4]  }
0x178: {  	s0 =	sadd.s32 @!p0 $0x100000, s0  }
0x179: {  	[sflag:s0] =	ssyncadd.tile.s32 @!p0 $0x1;
	_ =	shalt  }
.Lfunc_end2:
_tile_overlayer_lowered:
.L_overlay_start_2:
0x17a: {  	(tag) =	ssettag $0x2  }
0x17b: {  	s0 =	rddreg [dreg:$0x0];
	s2 =	stileid.u32  }
0x17c: {  	s1 =	rddreg [dreg:$0x1];
	p0 =	sne.s32 s2, $0x0  }
0x17d: {  	s3 =	rddreg [dreg:$0x2];
	[bflag:$0x3] =	sbarrier.arrive $0xFFFF;
	s2 =	simm.s32 @!p0 $0x1C03  }
0x17e: {  	[timem:s3], [sflag:s2] =	dma.local @!p0 [hbm:s0], s1  }
0x17f: {  	s0 =	simm.s32 @!p0 $0x3  }
0x180: {  	_ =	swait.ge @!p0 [sflag:s0], s1  }
0x181: {  	s1 =	ssub.s32 @!p0 $0x0, s1;
	[sflag:s0] =	ssyncset.done @!p0 $0x0  }
0x182: {  	[sflag:s0] =	ssyncadd.s32 @!p0 s1  }
0x183: {  	[bflag:$0x3] =	sbarrier.arrive $0xFFFF  }
0x184: {  	_ =	shalt  }

</sc_bundles>
